<compile_context>
chip_gen: v7x
topology: tpu7x:2x2x1
jax: 0.10.2.dev20260603
libtpu: 0.0.44.dev20260713+nightly
codegen_flags: <defaults>
</compile_context>

<pallas_src>
import functools

import jax
import jax.numpy as jnp
from jax import lax
from jax.experimental import pallas as pl
from jax.experimental.pallas import tpu as pltpu
from jax.experimental.pallas import tpu_sc as plsc

_NCORES = 2
_NSUB = 16
_B = 125


def _seg_sum_sc(h, src2d, dst2d):
    N, D = h.shape
    CH = src2d.shape[0]
    ch_per_tile = CH // (_NCORES * _NSUB)
    rows_per_tile = (N // _NSUB) // 8 * 8
    rem_rows = N - _NSUB * rows_per_tile
    zb = 104
    zblocks = rows_per_tile // zb

    mesh = plsc.VectorSubcoreMesh(core_axis_name="core", subcore_axis_name="subcore",
                                  num_cores=_NCORES, num_subcores=_NSUB)

    @functools.partial(
        pl.kernel,
        out_type=jax.ShapeDtypeStruct((_NCORES, N, D), jnp.float32),
        mesh=mesh,
        scratch_types=[
            pltpu.VMEM((ch_per_tile, _B), jnp.int32),
            pltpu.VMEM((ch_per_tile, _B), jnp.int32),
            pltpu.VMEM((_B, D), jnp.float32),
            pltpu.VMEM_SHARED((N, D), jnp.float32),
        ],
    )
    def seg_sum(h_hbm, src_hbm, dst_hbm, out_hbm, idx_s, idx_d, rows, acc):
        c = lax.axis_index("core")
        s = lax.axis_index("subcore")
        base = s * rows_per_tile

        @pl.loop(0, zb)
        def _(i):
            @pl.loop(0, D, step=16)
            def _(k):
                rows[pl.ds(i, 1), pl.ds(k, 16)] = jnp.zeros((1, 16), jnp.float32)

        @pl.loop(0, zblocks)
        def _(m):
            pltpu.sync_copy(rows.at[pl.ds(0, zb)], acc.at[pl.ds(base + m * zb, zb)])

        @pl.when(s == _NSUB - 1)
        def _():
            pltpu.sync_copy(rows.at[pl.ds(0, rem_rows)],
                            acc.at[pl.ds(_NSUB * rows_per_tile, rem_rows)])

        plsc.subcore_barrier()

        row0 = (c * _NSUB + s) * ch_per_tile
        pltpu.sync_copy(src_hbm.at[pl.ds(row0, ch_per_tile)], idx_s)
        pltpu.sync_copy(dst_hbm.at[pl.ds(row0, ch_per_tile)], idx_d)

        @pl.loop(0, ch_per_tile)
        def _(j):
            pltpu.sync_copy(h_hbm.at[idx_s.at[j]], rows)
            pltpu.sync_copy(rows, acc.at[idx_d.at[j]], add=True)

        plsc.subcore_barrier()
        pltpu.sync_copy(acc.at[pl.ds(base, rows_per_tile)],
                        out_hbm.at[c, pl.ds(base, rows_per_tile)])

        @pl.when(s == _NSUB - 1)
        def _():
            tail = _NSUB * rows_per_tile
            pltpu.sync_copy(acc.at[pl.ds(tail, rem_rows)],
                            out_hbm.at[c, pl.ds(tail, rem_rows)])

    return seg_sum(h, src2d, dst2d)


def _mlp_body(h_ref, a0_ref, a1_ref, er_ref,
              w1_ref, b1_ref, g1_ref, e1_ref,
              w2_ref, b2_ref, g2_ref, e2_ref, o_ref):
    h0 = h_ref[...] * er_ref[...] + (a0_ref[...] + a1_ref[...])
    y = jnp.dot(h0, w1_ref[...], preferred_element_type=jnp.float32, precision=lax.Precision.HIGHEST) + b1_ref[...]
    m = jnp.mean(y, axis=0, keepdims=True)
    v = jnp.mean((y - m) ** 2, axis=0, keepdims=True)
    y = (y - m) / jnp.sqrt(v + 1e-5) * g1_ref[...] + e1_ref[...]
    y = jnp.where(y >= 0, y, 0.01 * y)
    y = jnp.dot(y, w2_ref[...], preferred_element_type=jnp.float32, precision=lax.Precision.HIGHEST) + b2_ref[...]
    m = jnp.mean(y, axis=0, keepdims=True)
    v = jnp.mean((y - m) ** 2, axis=0, keepdims=True)
    y = (y - m) / jnp.sqrt(v + 1e-5) * g2_ref[...] + e2_ref[...]
    y = jnp.where(y >= 0, y, 0.01 * y)
    o_ref[...] = jnp.where(y >= 0, y, 0.01 * y)


def _mlp_tc(h, acc, conv):
    N, D = h.shape
    (w1, b1), (w2, b2) = conv["lins"]
    (g1, e1), (g2, e2) = conv["bns"]
    er = jnp.full((1, D), 1.0, jnp.float32) + conv["eps"]
    args = (h, acc[0], acc[1], er,
            w1, b1.reshape(1, D), g1.reshape(1, D), e1.reshape(1, D),
            w2, b2.reshape(1, D), g2.reshape(1, D), e2.reshape(1, D))
    return pl.pallas_call(
        _mlp_body,
        out_shape=jax.ShapeDtypeStruct((N, D), jnp.float32),
    )(*args)


def _pool_body(G, h3_ref, bc_ref, br_ref, o_ref):
    N, D = h3_ref.shape
    ohT = (br_ref[...] == lax.broadcasted_iota(jnp.int32, (G, N), 0)
           ).astype(jnp.float32)
    pool = jnp.dot(ohT, h3_ref[...], preferred_element_type=jnp.float32,
                   precision=lax.Precision.HIGHEST)
    oh = (bc_ref[...] == lax.broadcasted_iota(jnp.int32, (N, G), 1)
          ).astype(jnp.float32)
    o_ref[...] = jnp.dot(oh, pool, preferred_element_type=jnp.float32,
                         precision=lax.Precision.HIGHEST)


def _head_body(h1_ref, h2_ref, h3_ref, p_ref,
               wc_ref, cb_ref, wa_ref, ab_ref, wb_ref, bb_ref,
               wf_ref, fb_ref, o_ref):
    D = h1_ref.shape[1]
    hp = lax.Precision.HIGHEST
    y = (jnp.dot(h1_ref[...], wc_ref[0:D, :], preferred_element_type=jnp.float32, precision=hp)
         + jnp.dot(h2_ref[...], wc_ref[D:2 * D, :], preferred_element_type=jnp.float32, precision=hp)
         + jnp.dot(h3_ref[...], wc_ref[2 * D:3 * D, :], preferred_element_type=jnp.float32, precision=hp)
         + jnp.dot(p_ref[...], wc_ref[3 * D:4 * D, :], preferred_element_type=jnp.float32, precision=hp)
         + cb_ref[...])
    y = jnp.dot(y, wa_ref[...], preferred_element_type=jnp.float32, precision=hp) + ab_ref[...]
    y = jnp.where(y >= 0, y, 0.01 * y)
    y = jnp.dot(y, wb_ref[...], preferred_element_type=jnp.float32, precision=hp) + bb_ref[...]
    y = jnp.where(y >= 0, y, 0.01 * y)
    y = jnp.dot(y, wf_ref[...], preferred_element_type=jnp.float32, precision=hp) + fb_ref[...]
    o_ref[...] = jax.nn.sigmoid(y)


def _cls_tc(h1, h2, h3, batch, params):
    N, D = h1.shape
    wc, cb = params["cls1"]
    (wa, ab), (wb, bb) = params["cls"]
    wf, fb = params["final"]
    HID = wc.shape[1]
    G = 64
    bc = batch.reshape(N, 1)
    br = batch.reshape(1, N)
    pool_ = pl.pallas_call(
        functools.partial(_pool_body, G),
        out_shape=jax.ShapeDtypeStruct((N, D), jnp.float32),
    )(h3, bc, br)
    NB = 10
    BR = N // NB
    full = lambda shape: pl.BlockSpec(shape, lambda i: (0, 0))
    blk = lambda cols: pl.BlockSpec((BR, cols), lambda i: (i, 0))
    return pl.pallas_call(
        _head_body,
        grid=(NB,),
        in_specs=[blk(D), blk(D), blk(D), blk(D),
                  full((4 * D, HID)), full((1, HID)), full((HID, HID)),
                  full((1, HID)), full((HID, HID)), full((1, HID)),
                  full((HID, 1)), full((1, 1))],
        out_specs=blk(1),
        out_shape=jax.ShapeDtypeStruct((N, 1), jnp.float32),
    )(h1, h2, h3, pool_,
      wc, cb.reshape(1, HID), wa, ab.reshape(1, HID), wb, bb.reshape(1, HID),
      wf, fb.reshape(1, 1))


def kernel(x, edge_index, batch, params):
    N, D = x.shape
    E = edge_index.shape[1]
    src2d = edge_index[0].reshape(E // _B, _B)
    dst2d = edge_index[1].reshape(E // _B, _B)
    h = x
    hs = []
    for i, conv in enumerate(params["convs"]):
        acc = _seg_sum_sc(h, src2d, dst2d)
        h = _mlp_tc(h, acc, conv)
        if i >= 1:
            hs.append(h)
    return _cls_tc(hs[0], hs[1], hs[2], batch, params)

# --- scband reference (transcript-rebuilt; emitter-appended) ---
"""Pipeline reference for scband-ginplus-76699525972536 (READ-ONLY COPY).

The authoritative reference and input builder live on the scoring server;
editing this copy changes nothing except your own understanding.
"""

import jax, jax.numpy as jnp
import numpy as np

N = 10000
E = 320000
D = 128
G = 64
NC = 3
HID = 256


def _lin_init(key, din, dout):
    k1, k2 = jax.random.split(key)
    W = jax.random.normal(k1, (din, dout), jnp.float32) * 0.05
    b = jax.random.normal(k2, (dout,), jnp.float32) * 0.05
    return (W, b)


def setup_inputs(seed: int = 0) -> dict:
    key = jax.random.key(seed)
    ks = jax.random.split(key, 3)
    x = jax.random.normal(ks[0], (N, D), jnp.float32)
    edge_index = jax.random.randint(ks[1], (2, E), 0, N, dtype=jnp.int32)
    batch = jnp.sort(jax.random.randint(ks[2], (N,), 0, G, dtype=jnp.int32))
    convs = []
    for i in range(NC + 1):
        kk = jax.random.fold_in(key, 100 + i)
        kk1, kk2 = jax.random.split(kk)
        lins = [_lin_init(kk1, D, D), _lin_init(kk2, D, D)]
        bns = [(jnp.ones((D,), jnp.float32), jnp.zeros((D,), jnp.float32)),
               (jnp.ones((D,), jnp.float32), jnp.zeros((D,), jnp.float32))]
        convs.append({"eps": jnp.float32(0.0), "lins": lins, "bns": bns})
    params = {
        "convs": convs,
        "cls1": _lin_init(jax.random.fold_in(key, 200), D * (NC + 1), HID),
        "cls": [_lin_init(jax.random.fold_in(key, 201), HID, HID),
                _lin_init(jax.random.fold_in(key, 202), HID, HID)],
        "final": _lin_init(jax.random.fold_in(key, 203), HID, 1),
    }
    return {"x": x, "edge_index": edge_index, "batch": batch, "params": params}


def _bn(x, g, b):
    m = jnp.mean(x, axis=0)
    v = jnp.var(x, axis=0)
    return (x - m) / jnp.sqrt(v + 1e-5) * g + b


def _lrelu(x):
    return jnp.where(x >= 0, x, 0.01 * x)


def _mlp(x, lins, bns):
    for (W, b), (g, be) in zip(lins, bns):
        x = x @ W + b
        x = _bn(x, g, be)
        x = _lrelu(x)
        # dropout p=0.0 -> identity
    return x


def _gin(x, edge_index, p):
    src = edge_index[0]
    dst = edge_index[1]
    agg = jax.ops.segment_sum(x[src], dst, num_segments=x.shape[0])
    h = (1.0 + p["eps"]) * x + agg
    return _mlp(h, p["lins"], p["bns"])


def reference(x, edge_index, batch, params):
    h = _lrelu(_gin(x, edge_index, params["convs"][0]))
    hs = []
    for i in range(1, NC + 1):
        h = _lrelu(_gin(h, edge_index, params["convs"][i]))
        hs.append(h)
    h_pool = jax.ops.segment_sum(h, batch, num_segments=G)
    h_pool_ = h_pool[batch]  # repeat_interleave by per-graph counts (batch is sorted)
    h = jnp.concatenate(hs + [h_pool_], axis=1)
    W, b = params["cls1"]
    h = h @ W + b
    for (W, b) in params["cls"]:
        h = _lrelu(h @ W + b)
    W, b = params["final"]
    h = h @ W + b
    return jax.nn.sigmoid(h)

if __name__ == "__main__":
    import jax
    _d = setup_inputs()
    print(jax.jit(kernel)(*tuple(_d.values())))

</pallas_src>

<mosaic_0001>
#map = affine_map<(d0, d1) -> (0, 0)>
#map1 = affine_map<(d0, d1) -> (0, 0, 0)>
module attributes {stable_mosaic.version = 14 : i64} {
  func.func @seg_sum(%arg0: i32, %arg1: i32, %arg2: memref<10000x128xf32, #tpu.memory_space<hbm>>, %arg3: memref<2560x125xi32, #tpu.memory_space<hbm>>, %arg4: memref<2560x125xi32, #tpu.memory_space<hbm>>, %arg5: memref<2x10000x128xf32, #tpu.memory_space<hbm>>, %arg6: memref<80x125xi32, #tpu.memory_space<vmem>>, %arg7: memref<80x125xi32, #tpu.memory_space<vmem>>, %arg8: memref<125x128xf32, #tpu.memory_space<vmem>>, %arg9: memref<10000x128xf32, #tpu.memory_space<vmem_shared>>) attributes {dimension_semantics = [#tpu.dimension_semantics<core_parallel>, #tpu.dimension_semantics<subcore_parallel>], iteration_bounds = array<i64: 2, 16>, scalar_prefetch = 0 : i64, scratch_operands = 4 : i64, tpu.core_type = #tpu.core_type<sc_vector_subcore>, window_params = [{transform_indices = #map}, {transform_indices = #map}, {transform_indices = #map}, {transform_indices = #map1}]} {
    %mul3A = arith.constant 624 : i32
    %mul3A_0 = arith.muli %arg1, %mul3A : i32
    %scan3A = arith.constant 0 : i32
    %scan3A_1 = arith.constant 104 : i32
    %scan3A_2 = arith.addi %scan3A, %scan3A_1 : i32
    %scan3A_3 = arith.constant 1 : i32
    scf.for %scan3A_27 = %scan3A to %scan3A_2 step %scan3A_3  : i32 {
      %mul3A_28 = arith.constant 1 : i32
      %mul3A_29 = arith.muli %scan3A_27, %mul3A_28 : i32
      %add3A_30 = arith.constant 0 : i32
      %add3A_31 = arith.addi %add3A_30, %mul3A_29 : i32
      %scan3A_32 = arith.constant 0 : i32
      %scan3A_33 = arith.constant 8 : i32
      %scan3A_34 = arith.addi %scan3A_32, %scan3A_33 : i32
      %scan3A_35 = arith.constant 1 : i32
      scf.for %scan3A_37 = %scan3A_32 to %scan3A_34 step %scan3A_35  : i32 {
        %mul3A_38 = arith.constant 16 : i32
        %mul3A_39 = arith.muli %scan3A_37, %mul3A_38 : i32
        %add3A_40 = arith.constant 0 : i32
        %add3A_41 = arith.addi %add3A_40, %mul3A_39 : i32
        %broadcast_in_dim3A = arith.constant 0.000000e+00 : f32
        %broadcast_in_dim3A_42 = vector.broadcast %broadcast_in_dim3A : f32 to vector<1x16xf32>
        %swap3A = arith.index_cast %add3A_31 : i32 to index
        %swap3A_43 = arith.index_cast %add3A_41 : i32 to index
        %swap3A_44 = tpu.vector_load %arg8[%swap3A, %swap3A_43] {strides = array<i32>} : memref<125x128xf32, #tpu.memory_space<vmem>>, vector<1x16xf32>,
        %swap3A_45 = vector.shape_cast %swap3A_44 : vector<1x16xf32> to vector<1x16xf32>
        %swap3A_46 = vector.shape_cast %broadcast_in_dim3A_42 : vector<1x16xf32> to vector<1x16xf32>
        tpu.vector_store %arg8[%swap3A, %swap3A_43], %swap3A_46 {strides = array<i32>} : memref<125x128xf32, #tpu.memory_space<vmem>>, vector<1x16xf32>,
      }
      %scan3A_36 = arith.constant 8 : i32
    }
    %scan3A_4 = arith.constant 104 : i32
    %scan3A_5 = arith.constant 0 : i32
    %scan3A_6 = arith.constant 6 : i32
    %scan3A_7 = arith.addi %scan3A_5, %scan3A_6 : i32
    %scan3A_8 = arith.constant 1 : i32
    scf.for %scan3A_27 = %scan3A_5 to %scan3A_7 step %scan3A_8  : i32 {
      %mul3A_28 = arith.constant 1 : i32
      %mul3A_29 = arith.muli %scan3A_27, %mul3A_28 : i32
      %add3A_30 = arith.constant 0 : i32
      %add3A_31 = arith.addi %add3A_30, %mul3A_29 : i32
      %mul3A_32 = arith.constant 104 : i32
      %mul3A_33 = arith.muli %add3A_31, %mul3A_32 : i32
      %add3A_34 = arith.addi %mul3A_0, %mul3A_33 : i32
      "tpu.region"() ({
        %run_scoped3A = tpu.sem_alloc : memref<!tpu.dma_semaphore, #tpu.memory_space<semaphore_mem>>
        %dma_start3A = arith.constant 0 : i32
        %dma_start3A_35 = arith.constant 0 : i32
        %dma_start3A_36 = tpu.memref_slice %arg8[%dma_start3A, %dma_start3A_35] : memref<125x128xf32, #tpu.memory_space<vmem>> -> memref<104x128xf32, #tpu.memory_space<vmem>>
        %dma_start3A_37 = arith.constant 0 : i32
        %dma_start3A_38 = tpu.memref_slice %arg9[%add3A_34, %dma_start3A_37] : memref<10000x128xf32, #tpu.memory_space<vmem_shared>> -> memref<104x128xf32, #tpu.memory_space<vmem_shared>>
        %dma_start3A_39 = arith.constant 0 : i32
        %dma_start3A_40 = tpu.memref_slice %arg9[%add3A_34, %dma_start3A_39] : memref<10000x128xf32, #tpu.memory_space<vmem_shared>> -> memref<104x128xf32, #tpu.memory_space<vmem_shared>>
        %dma_start3A_41 = arith.constant 0 : i32
        %dma_start3A_42 = arith.constant 0 : i32
        %dma_start3A_43 = tpu.memref_slice %arg8[%dma_start3A_41, %dma_start3A_42] : memref<125x128xf32, #tpu.memory_space<vmem>> -> memref<104x128xf32, #tpu.memory_space<vmem>>
        tpu.enqueue_dma source(%dma_start3A_43 : memref<104x128xf32, #tpu.memory_space<vmem>>) target(%dma_start3A_40 : memref<104x128xf32, #tpu.memory_space<vmem_shared>>) target_semaphore(%run_scoped3A : memref<!tpu.dma_semaphore, #tpu.memory_space<semaphore_mem>>)
        %dma_wait3A = arith.constant 0 : i32
        %dma_wait3A_44 = arith.constant 0 : i32
        %dma_wait3A_45 = tpu.memref_slice %arg8[%dma_wait3A, %dma_wait3A_44] : memref<125x128xf32, #tpu.memory_space<vmem>> -> memref<104x128xf32, #tpu.memory_space<vmem>>
        %dma_wait3A_46 = arith.constant 0 : i32
        %dma_wait3A_47 = tpu.memref_slice %arg9[%add3A_34, %dma_wait3A_46] : memref<10000x128xf32, #tpu.memory_space<vmem_shared>> -> memref<104x128xf32, #tpu.memory_space<vmem_shared>>
        %dma_wait3A_48 = arith.constant 0 : i32
        %dma_wait3A_49 = tpu.memref_slice %arg9[%add3A_34, %dma_wait3A_48] : memref<10000x128xf32, #tpu.memory_space<vmem_shared>> -> memref<104x128xf32, #tpu.memory_space<vmem_shared>>
        %dma_wait3A_50 = arith.constant 0 : i32
        %dma_wait3A_51 = arith.constant 0 : i32
        %dma_wait3A_52 = tpu.memref_slice %arg8[%dma_wait3A_50, %dma_wait3A_51] : memref<125x128xf32, #tpu.memory_space<vmem>> -> memref<104x128xf32, #tpu.memory_space<vmem>>
        tpu.wait_dma2 semaphore(%run_scoped3A : memref<!tpu.dma_semaphore, #tpu.memory_space<semaphore_mem>>) src(%dma_wait3A_52 : memref<104x128xf32, #tpu.memory_space<vmem>>) dst(%dma_wait3A_49 : memref<104x128xf32, #tpu.memory_space<vmem_shared>>)
        tpu.yield
      }) : () -> ()
    }
    %scan3A_9 = arith.constant 6 : i32
    %eq3A = arith.constant 15 : i32
    %eq3A_10 = arith.cmpi eq, %arg1, %eq3A : i32
    %convert_element_type3A = arith.extui %eq3A_10 : i1 to i32
    %cond3A = arith.constant 0 : i32
    %cond3A_11 = arith.cmpi ne, %convert_element_type3A, %cond3A : i32
    scf.if %cond3A_11 {
      "tpu.region"() ({
        %run_scoped3A = tpu.sem_alloc : memref<!tpu.dma_semaphore, #tpu.memory_space<semaphore_mem>>
        %dma_start3A = arith.constant 0 : i32
        %dma_start3A_27 = arith.constant 0 : i32
        %dma_start3A_28 = tpu.memref_slice %arg8[%dma_start3A, %dma_start3A_27] : memref<125x128xf32, #tpu.memory_space<vmem>> -> memref<16x128xf32, #tpu.memory_space<vmem>>
        %dma_start3A_29 = arith.constant 9984 : i32
        %dma_start3A_30 = arith.constant 0 : i32
        %dma_start3A_31 = tpu.memref_slice %arg9[%dma_start3A_29, %dma_start3A_30] : memref<10000x128xf32, #tpu.memory_space<vmem_shared>> -> memref<16x128xf32, #tpu.memory_space<vmem_shared>>
        %dma_start3A_32 = arith.constant 9984 : i32
        %dma_start3A_33 = arith.constant 0 : i32
        %dma_start3A_34 = tpu.memref_slice %arg9[%dma_start3A_32, %dma_start3A_33] : memref<10000x128xf32, #tpu.memory_space<vmem_shared>> -> memref<16x128xf32, #tpu.memory_space<vmem_shared>>
        %dma_start3A_35 = arith.constant 0 : i32
        %dma_start3A_36 = arith.constant 0 : i32
        %dma_start3A_37 = tpu.memref_slice %arg8[%dma_start3A_35, %dma_start3A_36] : memref<125x128xf32, #tpu.memory_space<vmem>> -> memref<16x128xf32, #tpu.memory_space<vmem>>
        tpu.enqueue_dma source(%dma_start3A_37 : memref<16x128xf32, #tpu.memory_space<vmem>>) target(%dma_start3A_34 : memref<16x128xf32, #tpu.memory_space<vmem_shared>>) target_semaphore(%run_scoped3A : memref<!tpu.dma_semaphore, #tpu.memory_space<semaphore_mem>>)
        %dma_wait3A = arith.constant 0 : i32
        %dma_wait3A_38 = arith.constant 0 : i32
        %dma_wait3A_39 = tpu.memref_slice %arg8[%dma_wait3A, %dma_wait3A_38] : memref<125x128xf32, #tpu.memory_space<vmem>> -> memref<16x128xf32, #tpu.memory_space<vmem>>
        %dma_wait3A_40 = arith.constant 9984 : i32
        %dma_wait3A_41 = arith.constant 0 : i32
        %dma_wait3A_42 = tpu.memref_slice %arg9[%dma_wait3A_40, %dma_wait3A_41] : memref<10000x128xf32, #tpu.memory_space<vmem_shared>> -> memref<16x128xf32, #tpu.memory_space<vmem_shared>>
        %dma_wait3A_43 = arith.constant 9984 : i32
        %dma_wait3A_44 = arith.constant 0 : i32
        %dma_wait3A_45 = tpu.memref_slice %arg9[%dma_wait3A_43, %dma_wait3A_44] : memref<10000x128xf32, #tpu.memory_space<vmem_shared>> -> memref<16x128xf32, #tpu.memory_space<vmem_shared>>
        %dma_wait3A_46 = arith.constant 0 : i32
        %dma_wait3A_47 = arith.constant 0 : i32
        %dma_wait3A_48 = tpu.memref_slice %arg8[%dma_wait3A_46, %dma_wait3A_47] : memref<125x128xf32, #tpu.memory_space<vmem>> -> memref<16x128xf32, #tpu.memory_space<vmem>>
        tpu.wait_dma2 semaphore(%run_scoped3A : memref<!tpu.dma_semaphore, #tpu.memory_space<semaphore_mem>>) src(%dma_wait3A_48 : memref<16x128xf32, #tpu.memory_space<vmem>>) dst(%dma_wait3A_45 : memref<16x128xf32, #tpu.memory_space<vmem_shared>>)
        tpu.yield
      }) : () -> ()
    } else {
    }
    %barrier3A = arith.constant 0 : index
    tpu.barrier barrier_id(%barrier3A)
    %mul3A_12 = arith.constant 16 : i32
    %mul3A_13 = arith.muli %arg0, %mul3A_12 : i32
    %add3A = arith.addi %mul3A_13, %arg1 : i32
    %mul3A_14 = arith.constant 80 : i32
    %mul3A_15 = arith.muli %add3A, %mul3A_14 : i32
    "tpu.region"() ({
      %run_scoped3A = tpu.sem_alloc : memref<!tpu.dma_semaphore, #tpu.memory_space<semaphore_mem>>
      %dma_start3A = arith.constant 0 : i32
      %dma_start3A_27 = tpu.memref_slice %arg3[%mul3A_15, %dma_start3A] : memref<2560x125xi32, #tpu.memory_space<hbm>> -> memref<80x125xi32, #tpu.memory_space<hbm>>
      %dma_start3A_28 = arith.constant 0 : i32
      %dma_start3A_29 = tpu.memref_slice %arg3[%mul3A_15, %dma_start3A_28] : memref<2560x125xi32, #tpu.memory_space<hbm>> -> memref<80x125xi32, #tpu.memory_space<hbm>>
      tpu.enqueue_dma source(%dma_start3A_29 : memref<80x125xi32, #tpu.memory_space<hbm>>) target(%arg6 : memref<80x125xi32, #tpu.memory_space<vmem>>) target_semaphore(%run_scoped3A : memref<!tpu.dma_semaphore, #tpu.memory_space<semaphore_mem>>)
      %dma_wait3A = arith.constant 0 : i32
      %dma_wait3A_30 = tpu.memref_slice %arg3[%mul3A_15, %dma_wait3A] : memref<2560x125xi32, #tpu.memory_space<hbm>> -> memref<80x125xi32, #tpu.memory_space<hbm>>
      %dma_wait3A_31 = arith.constant 0 : i32
      %dma_wait3A_32 = tpu.memref_slice %arg3[%mul3A_15, %dma_wait3A_31] : memref<2560x125xi32, #tpu.memory_space<hbm>> -> memref<80x125xi32, #tpu.memory_space<hbm>>
      tpu.wait_dma2 semaphore(%run_scoped3A : memref<!tpu.dma_semaphore, #tpu.memory_space<semaphore_mem>>) src(%dma_wait3A_32 : memref<80x125xi32, #tpu.memory_space<hbm>>) dst(%arg6 : memref<80x125xi32, #tpu.memory_space<vmem>>)
      tpu.yield
    }) : () -> ()
    "tpu.region"() ({
      %run_scoped3A = tpu.sem_alloc : memref<!tpu.dma_semaphore, #tpu.memory_space<semaphore_mem>>
      %dma_start3A = arith.constant 0 : i32
      %dma_start3A_27 = tpu.memref_slice %arg4[%mul3A_15, %dma_start3A] : memref<2560x125xi32, #tpu.memory_space<hbm>> -> memref<80x125xi32, #tpu.memory_space<hbm>>
      %dma_start3A_28 = arith.constant 0 : i32
      %dma_start3A_29 = tpu.memref_slice %arg4[%mul3A_15, %dma_start3A_28] : memref<2560x125xi32, #tpu.memory_space<hbm>> -> memref<80x125xi32, #tpu.memory_space<hbm>>
      tpu.enqueue_dma source(%dma_start3A_29 : memref<80x125xi32, #tpu.memory_space<hbm>>) target(%arg7 : memref<80x125xi32, #tpu.memory_space<vmem>>) target_semaphore(%run_scoped3A : memref<!tpu.dma_semaphore, #tpu.memory_space<semaphore_mem>>)
      %dma_wait3A = arith.constant 0 : i32
      %dma_wait3A_30 = tpu.memref_slice %arg4[%mul3A_15, %dma_wait3A] : memref<2560x125xi32, #tpu.memory_space<hbm>> -> memref<80x125xi32, #tpu.memory_space<hbm>>
      %dma_wait3A_31 = arith.constant 0 : i32
      %dma_wait3A_32 = tpu.memref_slice %arg4[%mul3A_15, %dma_wait3A_31] : memref<2560x125xi32, #tpu.memory_space<hbm>> -> memref<80x125xi32, #tpu.memory_space<hbm>>
      tpu.wait_dma2 semaphore(%run_scoped3A : memref<!tpu.dma_semaphore, #tpu.memory_space<semaphore_mem>>) src(%dma_wait3A_32 : memref<80x125xi32, #tpu.memory_space<hbm>>) dst(%arg7 : memref<80x125xi32, #tpu.memory_space<vmem>>)
      tpu.yield
    }) : () -> ()
    %scan3A_16 = arith.constant 0 : i32
    %scan3A_17 = arith.constant 80 : i32
    %scan3A_18 = arith.addi %scan3A_16, %scan3A_17 : i32
    %scan3A_19 = arith.constant 1 : i32
    scf.for %scan3A_27 = %scan3A_16 to %scan3A_18 step %scan3A_19  : i32 {
      %mul3A_28 = arith.constant 1 : i32
      %mul3A_29 = arith.muli %scan3A_27, %mul3A_28 : i32
      %add3A_30 = arith.constant 0 : i32
      %add3A_31 = arith.addi %add3A_30, %mul3A_29 : i32
      "tpu.region"() ({
        %run_scoped3A = tpu.sem_alloc : memref<!tpu.dma_semaphore, #tpu.memory_space<semaphore_mem>>
        %dma_start3A = arith.constant 0 : i32
        %dma_start3A_32 = tpu.memref_slice %arg6[%add3A_31, %dma_start3A] : memref<80x125xi32, #tpu.memory_space<vmem>> -> memref<1x125xi32, #tpu.memory_space<vmem>>
        %dma_start3A_33 = tpu.memref_squeeze %dma_start3A_32 : memref<1x125xi32, #tpu.memory_space<vmem>> -> memref<125xi32, #tpu.memory_space<vmem>>
        %dma_start3A_34 = arith.constant 0 : i32
        %dma_start3A_35 = arith.constant 0 : i32
        %dma_start3A_36 = tpu.memref_slice %arg2[%dma_start3A_34, %dma_start3A_35] : memref<10000x128xf32, #tpu.memory_space<hbm>> -> memref<10000x128xf32, #tpu.memory_space<hbm>>
        tpu.enqueue_indirect_dma source(%dma_start3A_36 : memref<10000x128xf32, #tpu.memory_space<hbm>>) target(%arg8 : memref<125x128xf32, #tpu.memory_space<vmem>>) offsets(%dma_start3A_33 : memref<125xi32, #tpu.memory_space<vmem>>) semaphore(%run_scoped3A : memref<!tpu.dma_semaphore, #tpu.memory_space<semaphore_mem>>)
        %dma_wait3A = arith.constant 0 : i32
        %dma_wait3A_37 = tpu.memref_slice %arg6[%add3A_31, %dma_wait3A] : memref<80x125xi32, #tpu.memory_space<vmem>> -> memref<1x125xi32, #tpu.memory_space<vmem>>
        %dma_wait3A_38 = tpu.memref_squeeze %dma_wait3A_37 : memref<1x125xi32, #tpu.memory_space<vmem>> -> memref<125xi32, #tpu.memory_space<vmem>>
        %dma_wait3A_39 = arith.constant 0 : i32
        %dma_wait3A_40 = arith.constant 0 : i32
        %dma_wait3A_41 = tpu.memref_slice %arg2[%dma_wait3A_39, %dma_wait3A_40] : memref<10000x128xf32, #tpu.memory_space<hbm>> -> memref<10000x128xf32, #tpu.memory_space<hbm>>
        tpu.wait_indirect_dma semaphore(%run_scoped3A : memref<!tpu.dma_semaphore, #tpu.memory_space<semaphore_mem>>) src(%dma_wait3A_41 : memref<10000x128xf32, #tpu.memory_space<hbm>>) dst(%arg8 : memref<125x128xf32, #tpu.memory_space<vmem>>)
        tpu.yield
      }) : () -> ()
      "tpu.region"() ({
        %run_scoped3A = tpu.sem_alloc : memref<!tpu.dma_semaphore, #tpu.memory_space<semaphore_mem>>
        %dma_start3A = arith.constant 0 : i32
        %dma_start3A_32 = tpu.memref_slice %arg7[%add3A_31, %dma_start3A] : memref<80x125xi32, #tpu.memory_space<vmem>> -> memref<1x125xi32, #tpu.memory_space<vmem>>
        %dma_start3A_33 = tpu.memref_squeeze %dma_start3A_32 : memref<1x125xi32, #tpu.memory_space<vmem>> -> memref<125xi32, #tpu.memory_space<vmem>>
        %dma_start3A_34 = arith.constant 0 : i32
        %dma_start3A_35 = arith.constant 0 : i32
        %dma_start3A_36 = tpu.memref_slice %arg9[%dma_start3A_34, %dma_start3A_35] : memref<10000x128xf32, #tpu.memory_space<vmem_shared>> -> memref<10000x128xf32, #tpu.memory_space<vmem_shared>>
        tpu.enqueue_indirect_dma source(%arg8 : memref<125x128xf32, #tpu.memory_space<vmem>>) target(%dma_start3A_36 : memref<10000x128xf32, #tpu.memory_space<vmem_shared>>) offsets(%dma_start3A_33 : memref<125xi32, #tpu.memory_space<vmem>>) semaphore(%run_scoped3A : memref<!tpu.dma_semaphore, #tpu.memory_space<semaphore_mem>>) {add = true}
        %dma_wait3A = arith.constant 0 : i32
        %dma_wait3A_37 = tpu.memref_slice %arg7[%add3A_31, %dma_wait3A] : memref<80x125xi32, #tpu.memory_space<vmem>> -> memref<1x125xi32, #tpu.memory_space<vmem>>
        %dma_wait3A_38 = tpu.memref_squeeze %dma_wait3A_37 : memref<1x125xi32, #tpu.memory_space<vmem>> -> memref<125xi32, #tpu.memory_space<vmem>>
        %dma_wait3A_39 = arith.constant 0 : i32
        %dma_wait3A_40 = arith.constant 0 : i32
        %dma_wait3A_41 = tpu.memref_slice %arg9[%dma_wait3A_39, %dma_wait3A_40] : memref<10000x128xf32, #tpu.memory_space<vmem_shared>> -> memref<10000x128xf32, #tpu.memory_space<vmem_shared>>
        tpu.wait_indirect_dma semaphore(%run_scoped3A : memref<!tpu.dma_semaphore, #tpu.memory_space<semaphore_mem>>) src(%arg8 : memref<125x128xf32, #tpu.memory_space<vmem>>) dst(%dma_wait3A_41 : memref<10000x128xf32, #tpu.memory_space<vmem_shared>>)
        tpu.yield
      }) : () -> ()
    }
    %scan3A_20 = arith.constant 80 : i32
    %barrier3A_21 = arith.constant 0 : index
    tpu.barrier barrier_id(%barrier3A_21)
    "tpu.region"() ({
      %run_scoped3A = tpu.sem_alloc : memref<!tpu.dma_semaphore, #tpu.memory_space<semaphore_mem>>
      %dma_start3A = arith.constant 0 : i32
      %dma_start3A_27 = tpu.memref_slice %arg5[%arg0, %mul3A_0, %dma_start3A] : memref<2x10000x128xf32, #tpu.memory_space<hbm>> -> memref<1x624x128xf32, #tpu.memory_space<hbm>>
      %dma_start3A_28 = tpu.memref_squeeze %dma_start3A_27 : memref<1x624x128xf32, #tpu.memory_space<hbm>> -> memref<624x128xf32, #tpu.memory_space<hbm>>
      %dma_start3A_29 = arith.constant 0 : i32
      %dma_start3A_30 = tpu.memref_slice %arg9[%mul3A_0, %dma_start3A_29] : memref<10000x128xf32, #tpu.memory_space<vmem_shared>> -> memref<624x128xf32, #tpu.memory_space<vmem_shared>>
      tpu.enqueue_dma source(%dma_start3A_30 : memref<624x128xf32, #tpu.memory_space<vmem_shared>>) target(%dma_start3A_28 : memref<624x128xf32, #tpu.memory_space<hbm>>) target_semaphore(%run_scoped3A : memref<!tpu.dma_semaphore, #tpu.memory_space<semaphore_mem>>)
      %dma_wait3A = arith.constant 0 : i32
      %dma_wait3A_31 = tpu.memref_slice %arg5[%arg0, %mul3A_0, %dma_wait3A] : memref<2x10000x128xf32, #tpu.memory_space<hbm>> -> memref<1x624x128xf32, #tpu.memory_space<hbm>>
      %dma_wait3A_32 = tpu.memref_squeeze %dma_wait3A_31 : memref<1x624x128xf32, #tpu.memory_space<hbm>> -> memref<624x128xf32, #tpu.memory_space<hbm>>
      %dma_wait3A_33 = arith.constant 0 : i32
      %dma_wait3A_34 = tpu.memref_slice %arg9[%mul3A_0, %dma_wait3A_33] : memref<10000x128xf32, #tpu.memory_space<vmem_shared>> -> memref<624x128xf32, #tpu.memory_space<vmem_shared>>
      tpu.wait_dma2 semaphore(%run_scoped3A : memref<!tpu.dma_semaphore, #tpu.memory_space<semaphore_mem>>) src(%dma_wait3A_34 : memref<624x128xf32, #tpu.memory_space<vmem_shared>>) dst(%dma_wait3A_32 : memref<624x128xf32, #tpu.memory_space<hbm>>)
      tpu.yield
    }) : () -> ()
    %eq3A_22 = arith.constant 15 : i32
    %eq3A_23 = arith.cmpi eq, %arg1, %eq3A_22 : i32
    %convert_element_type3A_24 = arith.extui %eq3A_23 : i1 to i32
    %cond3A_25 = arith.constant 0 : i32
    %cond3A_26 = arith.cmpi ne, %convert_element_type3A_24, %cond3A_25 : i32
    scf.if %cond3A_26 {
      "tpu.region"() ({
        %run_scoped3A = tpu.sem_alloc : memref<!tpu.dma_semaphore, #tpu.memory_space<semaphore_mem>>
        %dma_start3A = arith.constant 9984 : i32
        %dma_start3A_27 = arith.constant 0 : i32
        %dma_start3A_28 = tpu.memref_slice %arg5[%arg0, %dma_start3A, %dma_start3A_27] : memref<2x10000x128xf32, #tpu.memory_space<hbm>> -> memref<1x16x128xf32, #tpu.memory_space<hbm>>
        %dma_start3A_29 = tpu.memref_squeeze %dma_start3A_28 : memref<1x16x128xf32, #tpu.memory_space<hbm>> -> memref<16x128xf32, #tpu.memory_space<hbm>>
        %dma_start3A_30 = arith.constant 9984 : i32
        %dma_start3A_31 = arith.constant 0 : i32
        %dma_start3A_32 = tpu.memref_slice %arg9[%dma_start3A_30, %dma_start3A_31] : memref<10000x128xf32, #tpu.memory_space<vmem_shared>> -> memref<16x128xf32, #tpu.memory_space<vmem_shared>>
        tpu.enqueue_dma source(%dma_start3A_32 : memref<16x128xf32, #tpu.memory_space<vmem_shared>>) target(%dma_start3A_29 : memref<16x128xf32, #tpu.memory_space<hbm>>) target_semaphore(%run_scoped3A : memref<!tpu.dma_semaphore, #tpu.memory_space<semaphore_mem>>)
        %dma_wait3A = arith.constant 9984 : i32
        %dma_wait3A_33 = arith.constant 0 : i32
        %dma_wait3A_34 = tpu.memref_slice %arg5[%arg0, %dma_wait3A, %dma_wait3A_33] : memref<2x10000x128xf32, #tpu.memory_space<hbm>> -> memref<1x16x128xf32, #tpu.memory_space<hbm>>
        %dma_wait3A_35 = tpu.memref_squeeze %dma_wait3A_34 : memref<1x16x128xf32, #tpu.memory_space<hbm>> -> memref<16x128xf32, #tpu.memory_space<hbm>>
        %dma_wait3A_36 = arith.constant 9984 : i32
        %dma_wait3A_37 = arith.constant 0 : i32
        %dma_wait3A_38 = tpu.memref_slice %arg9[%dma_wait3A_36, %dma_wait3A_37] : memref<10000x128xf32, #tpu.memory_space<vmem_shared>> -> memref<16x128xf32, #tpu.memory_space<vmem_shared>>
        tpu.wait_dma2 semaphore(%run_scoped3A : memref<!tpu.dma_semaphore, #tpu.memory_space<semaphore_mem>>) src(%dma_wait3A_38 : memref<16x128xf32, #tpu.memory_space<vmem_shared>>) dst(%dma_wait3A_35 : memref<16x128xf32, #tpu.memory_space<hbm>>)
        tpu.yield
      }) : () -> ()
    } else {
    }
    return
  }
}

#map = affine_map<(d0, d1) -> (0, 0)>
#map1 = affine_map<(d0, d1) -> (0, 0, 0)>
module attributes {stable_mosaic.version = 14 : i64} {
  func.func @seg_sum(%arg0: i32, %arg1: i32, %arg2: memref<10000x128xf32, #tpu.memory_space<hbm>>, %arg3: memref<2560x125xi32, #tpu.memory_space<hbm>>, %arg4: memref<2560x125xi32, #tpu.memory_space<hbm>>, %arg5: memref<2x10000x128xf32, #tpu.memory_space<hbm>>, %arg6: memref<80x125xi32, #tpu.memory_space<vmem>>, %arg7: memref<80x125xi32, #tpu.memory_space<vmem>>, %arg8: memref<125x128xf32, #tpu.memory_space<vmem>>, %arg9: memref<10000x128xf32, #tpu.memory_space<vmem_shared>>) attributes {dimension_semantics = [#tpu.dimension_semantics<core_parallel>, #tpu.dimension_semantics<subcore_parallel>], iteration_bounds = array<i64: 2, 16>, scalar_prefetch = 0 : i64, scratch_operands = 4 : i64, tpu.core_type = #tpu.core_type<sc_vector_subcore>, window_params = [{transform_indices = #map}, {transform_indices = #map}, {transform_indices = #map}, {transform_indices = #map1}]} {
    %mul3A = arith.constant 624 : i32
    %mul3A_0 = arith.muli %arg1, %mul3A : i32
    %scan3A = arith.constant 0 : i32
    %scan3A_1 = arith.constant 104 : i32
    %scan3A_2 = arith.addi %scan3A, %scan3A_1 : i32
    %scan3A_3 = arith.constant 1 : i32
    scf.for %scan3A_27 = %scan3A to %scan3A_2 step %scan3A_3  : i32 {
      %mul3A_28 = arith.constant 1 : i32
      %mul3A_29 = arith.muli %scan3A_27, %mul3A_28 : i32
      %add3A_30 = arith.constant 0 : i32
      %add3A_31 = arith.addi %add3A_30, %mul3A_29 : i32
      %scan3A_32 = arith.constant 0 : i32
      %scan3A_33 = arith.constant 8 : i32
      %scan3A_34 = arith.addi %scan3A_32, %scan3A_33 : i32
      %scan3A_35 = arith.constant 1 : i32
      scf.for %scan3A_37 = %scan3A_32 to %scan3A_34 step %scan3A_35  : i32 {
        %mul3A_38 = arith.constant 16 : i32
        %mul3A_39 = arith.muli %scan3A_37, %mul3A_38 : i32
        %add3A_40 = arith.constant 0 : i32
        %add3A_41 = arith.addi %add3A_40, %mul3A_39 : i32
        %broadcast_in_dim3A = arith.constant 0.000000e+00 : f32
        %broadcast_in_dim3A_42 = vector.broadcast %broadcast_in_dim3A : f32 to vector<1x16xf32>
        %swap3A = arith.index_cast %add3A_31 : i32 to index
        %swap3A_43 = arith.index_cast %add3A_41 : i32 to index
        %swap3A_44 = tpu.vector_load %arg8[%swap3A, %swap3A_43] {strides = array<i32>} : memref<125x128xf32, #tpu.memory_space<vmem>>, vector<1x16xf32>,
        %swap3A_45 = vector.shape_cast %swap3A_44 : vector<1x16xf32> to vector<1x16xf32>
        %swap3A_46 = vector.shape_cast %broadcast_in_dim3A_42 : vector<1x16xf32> to vector<1x16xf32>
        tpu.vector_store %arg8[%swap3A, %swap3A_43], %swap3A_46 {strides = array<i32>} : memref<125x128xf32, #tpu.memory_space<vmem>>, vector<1x16xf32>,
      }
      %scan3A_36 = arith.constant 8 : i32
    }
    %scan3A_4 = arith.constant 104 : i32
    %scan3A_5 = arith.constant 0 : i32
    %scan3A_6 = arith.constant 6 : i32
    %scan3A_7 = arith.addi %scan3A_5, %scan3A_6 : i32
    %scan3A_8 = arith.constant 1 : i32
    scf.for %scan3A_27 = %scan3A_5 to %scan3A_7 step %scan3A_8  : i32 {
      %mul3A_28 = arith.constant 1 : i32
      %mul3A_29 = arith.muli %scan3A_27, %mul3A_28 : i32
      %add3A_30 = arith.constant 0 : i32
      %add3A_31 = arith.addi %add3A_30, %mul3A_29 : i32
      %mul3A_32 = arith.constant 104 : i32
      %mul3A_33 = arith.muli %add3A_31, %mul3A_32 : i32
      %add3A_34 = arith.addi %mul3A_0, %mul3A_33 : i32
      "tpu.region"() ({
        %run_scoped3A = tpu.sem_alloc : memref<!tpu.dma_semaphore, #tpu.memory_space<semaphore_mem>>
        %dma_start3A = arith.constant 0 : i32
        %dma_start3A_35 = arith.constant 0 : i32
        %dma_start3A_36 = tpu.memref_slice %arg8[%dma_start3A, %dma_start3A_35] : memref<125x128xf32, #tpu.memory_space<vmem>> -> memref<104x128xf32, #tpu.memory_space<vmem>>
        %dma_start3A_37 = arith.constant 0 : i32
        %dma_start3A_38 = tpu.memref_slice %arg9[%add3A_34, %dma_start3A_37] : memref<10000x128xf32, #tpu.memory_space<vmem_shared>> -> memref<104x128xf32, #tpu.memory_space<vmem_shared>>
        %dma_start3A_39 = arith.constant 0 : i32
        %dma_start3A_40 = tpu.memref_slice %arg9[%add3A_34, %dma_start3A_39] : memref<10000x128xf32, #tpu.memory_space<vmem_shared>> -> memref<104x128xf32, #tpu.memory_space<vmem_shared>>
        %dma_start3A_41 = arith.constant 0 : i32
        %dma_start3A_42 = arith.constant 0 : i32
        %dma_start3A_43 = tpu.memref_slice %arg8[%dma_start3A_41, %dma_start3A_42] : memref<125x128xf32, #tpu.memory_space<vmem>> -> memref<104x128xf32, #tpu.memory_space<vmem>>
        tpu.enqueue_dma source(%dma_start3A_43 : memref<104x128xf32, #tpu.memory_space<vmem>>) target(%dma_start3A_40 : memref<104x128xf32, #tpu.memory_space<vmem_shared>>) target_semaphore(%run_scoped3A : memref<!tpu.dma_semaphore, #tpu.memory_space<semaphore_mem>>)
        %dma_wait3A = arith.constant 0 : i32
        %dma_wait3A_44 = arith.constant 0 : i32
        %dma_wait3A_45 = tpu.memref_slice %arg8[%dma_wait3A, %dma_wait3A_44] : memref<125x128xf32, #tpu.memory_space<vmem>> -> memref<104x128xf32, #tpu.memory_space<vmem>>
        %dma_wait3A_46 = arith.constant 0 : i32
        %dma_wait3A_47 = tpu.memref_slice %arg9[%add3A_34, %dma_wait3A_46] : memref<10000x128xf32, #tpu.memory_space<vmem_shared>> -> memref<104x128xf32, #tpu.memory_space<vmem_shared>>
        %dma_wait3A_48 = arith.constant 0 : i32
        %dma_wait3A_49 = tpu.memref_slice %arg9[%add3A_34, %dma_wait3A_48] : memref<10000x128xf32, #tpu.memory_space<vmem_shared>> -> memref<104x128xf32, #tpu.memory_space<vmem_shared>>
        %dma_wait3A_50 = arith.constant 0 : i32
        %dma_wait3A_51 = arith.constant 0 : i32
        %dma_wait3A_52 = tpu.memref_slice %arg8[%dma_wait3A_50, %dma_wait3A_51] : memref<125x128xf32, #tpu.memory_space<vmem>> -> memref<104x128xf32, #tpu.memory_space<vmem>>
        tpu.wait_dma2 semaphore(%run_scoped3A : memref<!tpu.dma_semaphore, #tpu.memory_space<semaphore_mem>>) src(%dma_wait3A_52 : memref<104x128xf32, #tpu.memory_space<vmem>>) dst(%dma_wait3A_49 : memref<104x128xf32, #tpu.memory_space<vmem_shared>>)
        tpu.yield
      }) : () -> ()
    }
    %scan3A_9 = arith.constant 6 : i32
    %eq3A = arith.constant 15 : i32
    %eq3A_10 = arith.cmpi eq, %arg1, %eq3A : i32
    %convert_element_type3A = arith.extui %eq3A_10 : i1 to i32
    %cond3A = arith.constant 0 : i32
    %cond3A_11 = arith.cmpi ne, %convert_element_type3A, %cond3A : i32
    scf.if %cond3A_11 {
      "tpu.region"() ({
        %run_scoped3A = tpu.sem_alloc : memref<!tpu.dma_semaphore, #tpu.memory_space<semaphore_mem>>
        %dma_start3A = arith.constant 0 : i32
        %dma_start3A_27 = arith.constant 0 : i32
        %dma_start3A_28 = tpu.memref_slice %arg8[%dma_start3A, %dma_start3A_27] : memref<125x128xf32, #tpu.memory_space<vmem>> -> memref<16x128xf32, #tpu.memory_space<vmem>>
        %dma_start3A_29 = arith.constant 9984 : i32
        %dma_start3A_30 = arith.constant 0 : i32
        %dma_start3A_31 = tpu.memref_slice %arg9[%dma_start3A_29, %dma_start3A_30] : memref<10000x128xf32, #tpu.memory_space<vmem_shared>> -> memref<16x128xf32, #tpu.memory_space<vmem_shared>>
        %dma_start3A_32 = arith.constant 9984 : i32
        %dma_start3A_33 = arith.constant 0 : i32
        %dma_start3A_34 = tpu.memref_slice %arg9[%dma_start3A_32, %dma_start3A_33] : memref<10000x128xf32, #tpu.memory_space<vmem_shared>> -> memref<16x128xf32, #tpu.memory_space<vmem_shared>>
        %dma_start3A_35 = arith.constant 0 : i32
        %dma_start3A_36 = arith.constant 0 : i32
        %dma_start3A_37 = tpu.memref_slice %arg8[%dma_start3A_35, %dma_start3A_36] : memref<125x128xf32, #tpu.memory_space<vmem>> -> memref<16x128xf32, #tpu.memory_space<vmem>>
        tpu.enqueue_dma source(%dma_start3A_37 : memref<16x128xf32, #tpu.memory_space<vmem>>) target(%dma_start3A_34 : memref<16x128xf32, #tpu.memory_space<vmem_shared>>) target_semaphore(%run_scoped3A : memref<!tpu.dma_semaphore, #tpu.memory_space<semaphore_mem>>)
        %dma_wait3A = arith.constant 0 : i32
        %dma_wait3A_38 = arith.constant 0 : i32
        %dma_wait3A_39 = tpu.memref_slice %arg8[%dma_wait3A, %dma_wait3A_38] : memref<125x128xf32, #tpu.memory_space<vmem>> -> memref<16x128xf32, #tpu.memory_space<vmem>>
        %dma_wait3A_40 = arith.constant 9984 : i32
        %dma_wait3A_41 = arith.constant 0 : i32
        %dma_wait3A_42 = tpu.memref_slice %arg9[%dma_wait3A_40, %dma_wait3A_41] : memref<10000x128xf32, #tpu.memory_space<vmem_shared>> -> memref<16x128xf32, #tpu.memory_space<vmem_shared>>
        %dma_wait3A_43 = arith.constant 9984 : i32
        %dma_wait3A_44 = arith.constant 0 : i32
        %dma_wait3A_45 = tpu.memref_slice %arg9[%dma_wait3A_43, %dma_wait3A_44] : memref<10000x128xf32, #tpu.memory_space<vmem_shared>> -> memref<16x128xf32, #tpu.memory_space<vmem_shared>>
        %dma_wait3A_46 = arith.constant 0 : i32
        %dma_wait3A_47 = arith.constant 0 : i32
        %dma_wait3A_48 = tpu.memref_slice %arg8[%dma_wait3A_46, %dma_wait3A_47] : memref<125x128xf32, #tpu.memory_space<vmem>> -> memref<16x128xf32, #tpu.memory_space<vmem>>
        tpu.wait_dma2 semaphore(%run_scoped3A : memref<!tpu.dma_semaphore, #tpu.memory_space<semaphore_mem>>) src(%dma_wait3A_48 : memref<16x128xf32, #tpu.memory_space<vmem>>) dst(%dma_wait3A_45 : memref<16x128xf32, #tpu.memory_space<vmem_shared>>)
        tpu.yield
      }) : () -> ()
    } else {
    }
    %barrier3A = arith.constant 0 : index
    tpu.barrier barrier_id(%barrier3A)
    %mul3A_12 = arith.constant 16 : i32
    %mul3A_13 = arith.muli %arg0, %mul3A_12 : i32
    %add3A = arith.addi %mul3A_13, %arg1 : i32
    %mul3A_14 = arith.constant 80 : i32
    %mul3A_15 = arith.muli %add3A, %mul3A_14 : i32
    "tpu.region"() ({
      %run_scoped3A = tpu.sem_alloc : memref<!tpu.dma_semaphore, #tpu.memory_space<semaphore_mem>>
      %dma_start3A = arith.constant 0 : i32
      %dma_start3A_27 = tpu.memref_slice %arg3[%mul3A_15, %dma_start3A] : memref<2560x125xi32, #tpu.memory_space<hbm>> -> memref<80x125xi32, #tpu.memory_space<hbm>>
      %dma_start3A_28 = arith.constant 0 : i32
      %dma_start3A_29 = tpu.memref_slice %arg3[%mul3A_15, %dma_start3A_28] : memref<2560x125xi32, #tpu.memory_space<hbm>> -> memref<80x125xi32, #tpu.memory_space<hbm>>
      tpu.enqueue_dma source(%dma_start3A_29 : memref<80x125xi32, #tpu.memory_space<hbm>>) target(%arg6 : memref<80x125xi32, #tpu.memory_space<vmem>>) target_semaphore(%run_scoped3A : memref<!tpu.dma_semaphore, #tpu.memory_space<semaphore_mem>>)
      %dma_wait3A = arith.constant 0 : i32
      %dma_wait3A_30 = tpu.memref_slice %arg3[%mul3A_15, %dma_wait3A] : memref<2560x125xi32, #tpu.memory_space<hbm>> -> memref<80x125xi32, #tpu.memory_space<hbm>>
      %dma_wait3A_31 = arith.constant 0 : i32
      %dma_wait3A_32 = tpu.memref_slice %arg3[%mul3A_15, %dma_wait3A_31] : memref<2560x125xi32, #tpu.memory_space<hbm>> -> memref<80x125xi32, #tpu.memory_space<hbm>>
      tpu.wait_dma2 semaphore(%run_scoped3A : memref<!tpu.dma_semaphore, #tpu.memory_space<semaphore_mem>>) src(%dma_wait3A_32 : memref<80x125xi32, #tpu.memory_space<hbm>>) dst(%arg6 : memref<80x125xi32, #tpu.memory_space<vmem>>)
      tpu.yield
    }) : () -> ()
    "tpu.region"() ({
      %run_scoped3A = tpu.sem_alloc : memref<!tpu.dma_semaphore, #tpu.memory_space<semaphore_mem>>
      %dma_start3A = arith.constant 0 : i32
      %dma_start3A_27 = tpu.memref_slice %arg4[%mul3A_15, %dma_start3A] : memref<2560x125xi32, #tpu.memory_space<hbm>> -> memref<80x125xi32, #tpu.memory_space<hbm>>
      %dma_start3A_28 = arith.constant 0 : i32
      %dma_start3A_29 = tpu.memref_slice %arg4[%mul3A_15, %dma_start3A_28] : memref<2560x125xi32, #tpu.memory_space<hbm>> -> memref<80x125xi32, #tpu.memory_space<hbm>>
      tpu.enqueue_dma source(%dma_start3A_29 : memref<80x125xi32, #tpu.memory_space<hbm>>) target(%arg7 : memref<80x125xi32, #tpu.memory_space<vmem>>) target_semaphore(%run_scoped3A : memref<!tpu.dma_semaphore, #tpu.memory_space<semaphore_mem>>)
      %dma_wait3A = arith.constant 0 : i32
      %dma_wait3A_30 = tpu.memref_slice %arg4[%mul3A_15, %dma_wait3A] : memref<2560x125xi32, #tpu.memory_space<hbm>> -> memref<80x125xi32, #tpu.memory_space<hbm>>
      %dma_wait3A_31 = arith.constant 0 : i32
      %dma_wait3A_32 = tpu.memref_slice %arg4[%mul3A_15, %dma_wait3A_31] : memref<2560x125xi32, #tpu.memory_space<hbm>> -> memref<80x125xi32, #tpu.memory_space<hbm>>
      tpu.wait_dma2 semaphore(%run_scoped3A : memref<!tpu.dma_semaphore, #tpu.memory_space<semaphore_mem>>) src(%dma_wait3A_32 : memref<80x125xi32, #tpu.memory_space<hbm>>) dst(%arg7 : memref<80x125xi32, #tpu.memory_space<vmem>>)
      tpu.yield
    }) : () -> ()
    %scan3A_16 = arith.constant 0 : i32
    %scan3A_17 = arith.constant 80 : i32
    %scan3A_18 = arith.addi %scan3A_16, %scan3A_17 : i32
    %scan3A_19 = arith.constant 1 : i32
    scf.for %scan3A_27 = %scan3A_16 to %scan3A_18 step %scan3A_19  : i32 {
      %mul3A_28 = arith.constant 1 : i32
      %mul3A_29 = arith.muli %scan3A_27, %mul3A_28 : i32
      %add3A_30 = arith.constant 0 : i32
      %add3A_31 = arith.addi %add3A_30, %mul3A_29 : i32
      "tpu.region"() ({
        %run_scoped3A = tpu.sem_alloc : memref<!tpu.dma_semaphore, #tpu.memory_space<semaphore_mem>>
        %dma_start3A = arith.constant 0 : i32
        %dma_start3A_32 = tpu.memref_slice %arg6[%add3A_31, %dma_start3A] : memref<80x125xi32, #tpu.memory_space<vmem>> -> memref<1x125xi32, #tpu.memory_space<vmem>>
        %dma_start3A_33 = tpu.memref_squeeze %dma_start3A_32 : memref<1x125xi32, #tpu.memory_space<vmem>> -> memref<125xi32, #tpu.memory_space<vmem>>
        %dma_start3A_34 = arith.constant 0 : i32
        %dma_start3A_35 = arith.constant 0 : i32
        %dma_start3A_36 = tpu.memref_slice %arg2[%dma_start3A_34, %dma_start3A_35] : memref<10000x128xf32, #tpu.memory_space<hbm>> -> memref<10000x128xf32, #tpu.memory_space<hbm>>
        tpu.enqueue_indirect_dma source(%dma_start3A_36 : memref<10000x128xf32, #tpu.memory_space<hbm>>) target(%arg8 : memref<125x128xf32, #tpu.memory_space<vmem>>) offsets(%dma_start3A_33 : memref<125xi32, #tpu.memory_space<vmem>>) semaphore(%run_scoped3A : memref<!tpu.dma_semaphore, #tpu.memory_space<semaphore_mem>>)
        %dma_wait3A = arith.constant 0 : i32
        %dma_wait3A_37 = tpu.memref_slice %arg6[%add3A_31, %dma_wait3A] : memref<80x125xi32, #tpu.memory_space<vmem>> -> memref<1x125xi32, #tpu.memory_space<vmem>>
        %dma_wait3A_38 = tpu.memref_squeeze %dma_wait3A_37 : memref<1x125xi32, #tpu.memory_space<vmem>> -> memref<125xi32, #tpu.memory_space<vmem>>
        %dma_wait3A_39 = arith.constant 0 : i32
        %dma_wait3A_40 = arith.constant 0 : i32
        %dma_wait3A_41 = tpu.memref_slice %arg2[%dma_wait3A_39, %dma_wait3A_40] : memref<10000x128xf32, #tpu.memory_space<hbm>> -> memref<10000x128xf32, #tpu.memory_space<hbm>>
        tpu.wait_indirect_dma semaphore(%run_scoped3A : memref<!tpu.dma_semaphore, #tpu.memory_space<semaphore_mem>>) src(%dma_wait3A_41 : memref<10000x128xf32, #tpu.memory_space<hbm>>) dst(%arg8 : memref<125x128xf32, #tpu.memory_space<vmem>>)
        tpu.yield
      }) : () -> ()
      "tpu.region"() ({
        %run_scoped3A = tpu.sem_alloc : memref<!tpu.dma_semaphore, #tpu.memory_space<semaphore_mem>>
        %dma_start3A = arith.constant 0 : i32
        %dma_start3A_32 = tpu.memref_slice %arg7[%add3A_31, %dma_start3A] : memref<80x125xi32, #tpu.memory_space<vmem>> -> memref<1x125xi32, #tpu.memory_space<vmem>>
        %dma_start3A_33 = tpu.memref_squeeze %dma_start3A_32 : memref<1x125xi32, #tpu.memory_space<vmem>> -> memref<125xi32, #tpu.memory_space<vmem>>
        %dma_start3A_34 = arith.constant 0 : i32
        %dma_start3A_35 = arith.constant 0 : i32
        %dma_start3A_36 = tpu.memref_slice %arg9[%dma_start3A_34, %dma_start3A_35] : memref<10000x128xf32, #tpu.memory_space<vmem_shared>> -> memref<10000x128xf32, #tpu.memory_space<vmem_shared>>
        tpu.enqueue_indirect_dma source(%arg8 : memref<125x128xf32, #tpu.memory_space<vmem>>) target(%dma_start3A_36 : memref<10000x128xf32, #tpu.memory_space<vmem_shared>>) offsets(%dma_start3A_33 : memref<125xi32, #tpu.memory_space<vmem>>) semaphore(%run_scoped3A : memref<!tpu.dma_semaphore, #tpu.memory_space<semaphore_mem>>) {add = true}
        %dma_wait3A = arith.constant 0 : i32
        %dma_wait3A_37 = tpu.memref_slice %arg7[%add3A_31, %dma_wait3A] : memref<80x125xi32, #tpu.memory_space<vmem>> -> memref<1x125xi32, #tpu.memory_space<vmem>>
        %dma_wait3A_38 = tpu.memref_squeeze %dma_wait3A_37 : memref<1x125xi32, #tpu.memory_space<vmem>> -> memref<125xi32, #tpu.memory_space<vmem>>
        %dma_wait3A_39 = arith.constant 0 : i32
        %dma_wait3A_40 = arith.constant 0 : i32
        %dma_wait3A_41 = tpu.memref_slice %arg9[%dma_wait3A_39, %dma_wait3A_40] : memref<10000x128xf32, #tpu.memory_space<vmem_shared>> -> memref<10000x128xf32, #tpu.memory_space<vmem_shared>>
        tpu.wait_indirect_dma semaphore(%run_scoped3A : memref<!tpu.dma_semaphore, #tpu.memory_space<semaphore_mem>>) src(%arg8 : memref<125x128xf32, #tpu.memory_space<vmem>>) dst(%dma_wait3A_41 : memref<10000x128xf32, #tpu.memory_space<vmem_shared>>)
        tpu.yield
      }) : () -> ()
    }
    %scan3A_20 = arith.constant 80 : i32
    %barrier3A_21 = arith.constant 0 : index
    tpu.barrier barrier_id(%barrier3A_21)
    "tpu.region"() ({
      %run_scoped3A = tpu.sem_alloc : memref<!tpu.dma_semaphore, #tpu.memory_space<semaphore_mem>>
      %dma_start3A = arith.constant 0 : i32
      %dma_start3A_27 = tpu.memref_slice %arg5[%arg0, %mul3A_0, %dma_start3A] : memref<2x10000x128xf32, #tpu.memory_space<hbm>> -> memref<1x624x128xf32, #tpu.memory_space<hbm>>
      %dma_start3A_28 = tpu.memref_squeeze %dma_start3A_27 : memref<1x624x128xf32, #tpu.memory_space<hbm>> -> memref<624x128xf32, #tpu.memory_space<hbm>>
      %dma_start3A_29 = arith.constant 0 : i32
      %dma_start3A_30 = tpu.memref_slice %arg9[%mul3A_0, %dma_start3A_29] : memref<10000x128xf32, #tpu.memory_space<vmem_shared>> -> memref<624x128xf32, #tpu.memory_space<vmem_shared>>
      tpu.enqueue_dma source(%dma_start3A_30 : memref<624x128xf32, #tpu.memory_space<vmem_shared>>) target(%dma_start3A_28 : memref<624x128xf32, #tpu.memory_space<hbm>>) target_semaphore(%run_scoped3A : memref<!tpu.dma_semaphore, #tpu.memory_space<semaphore_mem>>)
      %dma_wait3A = arith.constant 0 : i32
      %dma_wait3A_31 = tpu.memref_slice %arg5[%arg0, %mul3A_0, %dma_wait3A] : memref<2x10000x128xf32, #tpu.memory_space<hbm>> -> memref<1x624x128xf32, #tpu.memory_space<hbm>>
      %dma_wait3A_32 = tpu.memref_squeeze %dma_wait3A_31 : memref<1x624x128xf32, #tpu.memory_space<hbm>> -> memref<624x128xf32, #tpu.memory_space<hbm>>
      %dma_wait3A_33 = arith.constant 0 : i32
      %dma_wait3A_34 = tpu.memref_slice %arg9[%mul3A_0, %dma_wait3A_33] : memref<10000x128xf32, #tpu.memory_space<vmem_shared>> -> memref<624x128xf32, #tpu.memory_space<vmem_shared>>
      tpu.wait_dma2 semaphore(%run_scoped3A : memref<!tpu.dma_semaphore, #tpu.memory_space<semaphore_mem>>) src(%dma_wait3A_34 : memref<624x128xf32, #tpu.memory_space<vmem_shared>>) dst(%dma_wait3A_32 : memref<624x128xf32, #tpu.memory_space<hbm>>)
      tpu.yield
    }) : () -> ()
    %eq3A_22 = arith.constant 15 : i32
    %eq3A_23 = arith.cmpi eq, %arg1, %eq3A_22 : i32
    %convert_element_type3A_24 = arith.extui %eq3A_23 : i1 to i32
    %cond3A_25 = arith.constant 0 : i32
    %cond3A_26 = arith.cmpi ne, %convert_element_type3A_24, %cond3A_25 : i32
    scf.if %cond3A_26 {
      "tpu.region"() ({
        %run_scoped3A = tpu.sem_alloc : memref<!tpu.dma_semaphore, #tpu.memory_space<semaphore_mem>>
        %dma_start3A = arith.constant 9984 : i32
        %dma_start3A_27 = arith.constant 0 : i32
        %dma_start3A_28 = tpu.memref_slice %arg5[%arg0, %dma_start3A, %dma_start3A_27] : memref<2x10000x128xf32, #tpu.memory_space<hbm>> -> memref<1x16x128xf32, #tpu.memory_space<hbm>>
        %dma_start3A_29 = tpu.memref_squeeze %dma_start3A_28 : memref<1x16x128xf32, #tpu.memory_space<hbm>> -> memref<16x128xf32, #tpu.memory_space<hbm>>
        %dma_start3A_30 = arith.constant 9984 : i32
        %dma_start3A_31 = arith.constant 0 : i32
        %dma_start3A_32 = tpu.memref_slice %arg9[%dma_start3A_30, %dma_start3A_31] : memref<10000x128xf32, #tpu.memory_space<vmem_shared>> -> memref<16x128xf32, #tpu.memory_space<vmem_shared>>
        tpu.enqueue_dma source(%dma_start3A_32 : memref<16x128xf32, #tpu.memory_space<vmem_shared>>) target(%dma_start3A_29 : memref<16x128xf32, #tpu.memory_space<hbm>>) target_semaphore(%run_scoped3A : memref<!tpu.dma_semaphore, #tpu.memory_space<semaphore_mem>>)
        %dma_wait3A = arith.constant 9984 : i32
        %dma_wait3A_33 = arith.constant 0 : i32
        %dma_wait3A_34 = tpu.memref_slice %arg5[%arg0, %dma_wait3A, %dma_wait3A_33] : memref<2x10000x128xf32, #tpu.memory_space<hbm>> -> memref<1x16x128xf32, #tpu.memory_space<hbm>>
        %dma_wait3A_35 = tpu.memref_squeeze %dma_wait3A_34 : memref<1x16x128xf32, #tpu.memory_space<hbm>> -> memref<16x128xf32, #tpu.memory_space<hbm>>
        %dma_wait3A_36 = arith.constant 9984 : i32
        %dma_wait3A_37 = arith.constant 0 : i32
        %dma_wait3A_38 = tpu.memref_slice %arg9[%dma_wait3A_36, %dma_wait3A_37] : memref<10000x128xf32, #tpu.memory_space<vmem_shared>> -> memref<16x128xf32, #tpu.memory_space<vmem_shared>>
        tpu.wait_dma2 semaphore(%run_scoped3A : memref<!tpu.dma_semaphore, #tpu.memory_space<semaphore_mem>>) src(%dma_wait3A_38 : memref<16x128xf32, #tpu.memory_space<vmem_shared>>) dst(%dma_wait3A_35 : memref<16x128xf32, #tpu.memory_space<hbm>>)
        tpu.yield
      }) : () -> ()
    } else {
    }
    return
  }
}

#map = affine_map<(d0, d1) -> (0, 0)>
#map1 = affine_map<(d0, d1) -> (0, 0, 0)>
module attributes {stable_mosaic.version = 14 : i64} {
  func.func @seg_sum(%arg0: i32, %arg1: i32, %arg2: memref<10000x128xf32, #tpu.memory_space<hbm>>, %arg3: memref<2560x125xi32, #tpu.memory_space<hbm>>, %arg4: memref<2560x125xi32, #tpu.memory_space<hbm>>, %arg5: memref<2x10000x128xf32, #tpu.memory_space<hbm>>, %arg6: memref<80x125xi32, #tpu.memory_space<vmem>>, %arg7: memref<80x125xi32, #tpu.memory_space<vmem>>, %arg8: memref<125x128xf32, #tpu.memory_space<vmem>>, %arg9: memref<10000x128xf32, #tpu.memory_space<vmem_shared>>) attributes {dimension_semantics = [#tpu.dimension_semantics<core_parallel>, #tpu.dimension_semantics<subcore_parallel>], iteration_bounds = array<i64: 2, 16>, scalar_prefetch = 0 : i64, scratch_operands = 4 : i64, tpu.core_type = #tpu.core_type<sc_vector_subcore>, window_params = [{transform_indices = #map}, {transform_indices = #map}, {transform_indices = #map}, {transform_indices = #map1}]} {
    %mul3A = arith.constant 624 : i32
    %mul3A_0 = arith.muli %arg1, %mul3A : i32
    %scan3A = arith.constant 0 : i32
    %scan3A_1 = arith.constant 104 : i32
    %scan3A_2 = arith.addi %scan3A, %scan3A_1 : i32
    %scan3A_3 = arith.constant 1 : i32
    scf.for %scan3A_27 = %scan3A to %scan3A_2 step %scan3A_3  : i32 {
      %mul3A_28 = arith.constant 1 : i32
      %mul3A_29 = arith.muli %scan3A_27, %mul3A_28 : i32
      %add3A_30 = arith.constant 0 : i32
      %add3A_31 = arith.addi %add3A_30, %mul3A_29 : i32
      %scan3A_32 = arith.constant 0 : i32
      %scan3A_33 = arith.constant 8 : i32
      %scan3A_34 = arith.addi %scan3A_32, %scan3A_33 : i32
      %scan3A_35 = arith.constant 1 : i32
      scf.for %scan3A_37 = %scan3A_32 to %scan3A_34 step %scan3A_35  : i32 {
        %mul3A_38 = arith.constant 16 : i32
        %mul3A_39 = arith.muli %scan3A_37, %mul3A_38 : i32
        %add3A_40 = arith.constant 0 : i32
        %add3A_41 = arith.addi %add3A_40, %mul3A_39 : i32
        %broadcast_in_dim3A = arith.constant 0.000000e+00 : f32
        %broadcast_in_dim3A_42 = vector.broadcast %broadcast_in_dim3A : f32 to vector<1x16xf32>
        %swap3A = arith.index_cast %add3A_31 : i32 to index
        %swap3A_43 = arith.index_cast %add3A_41 : i32 to index
        %swap3A_44 = tpu.vector_load %arg8[%swap3A, %swap3A_43] {strides = array<i32>} : memref<125x128xf32, #tpu.memory_space<vmem>>, vector<1x16xf32>,
        %swap3A_45 = vector.shape_cast %swap3A_44 : vector<1x16xf32> to vector<1x16xf32>
        %swap3A_46 = vector.shape_cast %broadcast_in_dim3A_42 : vector<1x16xf32> to vector<1x16xf32>
        tpu.vector_store %arg8[%swap3A, %swap3A_43], %swap3A_46 {strides = array<i32>} : memref<125x128xf32, #tpu.memory_space<vmem>>, vector<1x16xf32>,
      }
      %scan3A_36 = arith.constant 8 : i32
    }
    %scan3A_4 = arith.constant 104 : i32
    %scan3A_5 = arith.constant 0 : i32
    %scan3A_6 = arith.constant 6 : i32
    %scan3A_7 = arith.addi %scan3A_5, %scan3A_6 : i32
    %scan3A_8 = arith.constant 1 : i32
    scf.for %scan3A_27 = %scan3A_5 to %scan3A_7 step %scan3A_8  : i32 {
      %mul3A_28 = arith.constant 1 : i32
      %mul3A_29 = arith.muli %scan3A_27, %mul3A_28 : i32
      %add3A_30 = arith.constant 0 : i32
      %add3A_31 = arith.addi %add3A_30, %mul3A_29 : i32
      %mul3A_32 = arith.constant 104 : i32
      %mul3A_33 = arith.muli %add3A_31, %mul3A_32 : i32
      %add3A_34 = arith.addi %mul3A_0, %mul3A_33 : i32
      "tpu.region"() ({
        %run_scoped3A = tpu.sem_alloc : memref<!tpu.dma_semaphore, #tpu.memory_space<semaphore_mem>>
        %dma_start3A = arith.constant 0 : i32
        %dma_start3A_35 = arith.constant 0 : i32
        %dma_start3A_36 = tpu.memref_slice %arg8[%dma_start3A, %dma_start3A_35] : memref<125x128xf32, #tpu.memory_space<vmem>> -> memref<104x128xf32, #tpu.memory_space<vmem>>
        %dma_start3A_37 = arith.constant 0 : i32
        %dma_start3A_38 = tpu.memref_slice %arg9[%add3A_34, %dma_start3A_37] : memref<10000x128xf32, #tpu.memory_space<vmem_shared>> -> memref<104x128xf32, #tpu.memory_space<vmem_shared>>
        %dma_start3A_39 = arith.constant 0 : i32
        %dma_start3A_40 = tpu.memref_slice %arg9[%add3A_34, %dma_start3A_39] : memref<10000x128xf32, #tpu.memory_space<vmem_shared>> -> memref<104x128xf32, #tpu.memory_space<vmem_shared>>
        %dma_start3A_41 = arith.constant 0 : i32
        %dma_start3A_42 = arith.constant 0 : i32
        %dma_start3A_43 = tpu.memref_slice %arg8[%dma_start3A_41, %dma_start3A_42] : memref<125x128xf32, #tpu.memory_space<vmem>> -> memref<104x128xf32, #tpu.memory_space<vmem>>
        tpu.enqueue_dma source(%dma_start3A_43 : memref<104x128xf32, #tpu.memory_space<vmem>>) target(%dma_start3A_40 : memref<104x128xf32, #tpu.memory_space<vmem_shared>>) target_semaphore(%run_scoped3A : memref<!tpu.dma_semaphore, #tpu.memory_space<semaphore_mem>>)
        %dma_wait3A = arith.constant 0 : i32
        %dma_wait3A_44 = arith.constant 0 : i32
        %dma_wait3A_45 = tpu.memref_slice %arg8[%dma_wait3A, %dma_wait3A_44] : memref<125x128xf32, #tpu.memory_space<vmem>> -> memref<104x128xf32, #tpu.memory_space<vmem>>
        %dma_wait3A_46 = arith.constant 0 : i32
        %dma_wait3A_47 = tpu.memref_slice %arg9[%add3A_34, %dma_wait3A_46] : memref<10000x128xf32, #tpu.memory_space<vmem_shared>> -> memref<104x128xf32, #tpu.memory_space<vmem_shared>>
        %dma_wait3A_48 = arith.constant 0 : i32
        %dma_wait3A_49 = tpu.memref_slice %arg9[%add3A_34, %dma_wait3A_48] : memref<10000x128xf32, #tpu.memory_space<vmem_shared>> -> memref<104x128xf32, #tpu.memory_space<vmem_shared>>
        %dma_wait3A_50 = arith.constant 0 : i32
        %dma_wait3A_51 = arith.constant 0 : i32
        %dma_wait3A_52 = tpu.memref_slice %arg8[%dma_wait3A_50, %dma_wait3A_51] : memref<125x128xf32, #tpu.memory_space<vmem>> -> memref<104x128xf32, #tpu.memory_space<vmem>>
        tpu.wait_dma2 semaphore(%run_scoped3A : memref<!tpu.dma_semaphore, #tpu.memory_space<semaphore_mem>>) src(%dma_wait3A_52 : memref<104x128xf32, #tpu.memory_space<vmem>>) dst(%dma_wait3A_49 : memref<104x128xf32, #tpu.memory_space<vmem_shared>>)
        tpu.yield
      }) : () -> ()
    }
    %scan3A_9 = arith.constant 6 : i32
    %eq3A = arith.constant 15 : i32
    %eq3A_10 = arith.cmpi eq, %arg1, %eq3A : i32
    %convert_element_type3A = arith.extui %eq3A_10 : i1 to i32
    %cond3A = arith.constant 0 : i32
    %cond3A_11 = arith.cmpi ne, %convert_element_type3A, %cond3A : i32
    scf.if %cond3A_11 {
      "tpu.region"() ({
        %run_scoped3A = tpu.sem_alloc : memref<!tpu.dma_semaphore, #tpu.memory_space<semaphore_mem>>
        %dma_start3A = arith.constant 0 : i32
        %dma_start3A_27 = arith.constant 0 : i32
        %dma_start3A_28 = tpu.memref_slice %arg8[%dma_start3A, %dma_start3A_27] : memref<125x128xf32, #tpu.memory_space<vmem>> -> memref<16x128xf32, #tpu.memory_space<vmem>>
        %dma_start3A_29 = arith.constant 9984 : i32
        %dma_start3A_30 = arith.constant 0 : i32
        %dma_start3A_31 = tpu.memref_slice %arg9[%dma_start3A_29, %dma_start3A_30] : memref<10000x128xf32, #tpu.memory_space<vmem_shared>> -> memref<16x128xf32, #tpu.memory_space<vmem_shared>>
        %dma_start3A_32 = arith.constant 9984 : i32
        %dma_start3A_33 = arith.constant 0 : i32
        %dma_start3A_34 = tpu.memref_slice %arg9[%dma_start3A_32, %dma_start3A_33] : memref<10000x128xf32, #tpu.memory_space<vmem_shared>> -> memref<16x128xf32, #tpu.memory_space<vmem_shared>>
        %dma_start3A_35 = arith.constant 0 : i32
        %dma_start3A_36 = arith.constant 0 : i32
        %dma_start3A_37 = tpu.memref_slice %arg8[%dma_start3A_35, %dma_start3A_36] : memref<125x128xf32, #tpu.memory_space<vmem>> -> memref<16x128xf32, #tpu.memory_space<vmem>>
        tpu.enqueue_dma source(%dma_start3A_37 : memref<16x128xf32, #tpu.memory_space<vmem>>) target(%dma_start3A_34 : memref<16x128xf32, #tpu.memory_space<vmem_shared>>) target_semaphore(%run_scoped3A : memref<!tpu.dma_semaphore, #tpu.memory_space<semaphore_mem>>)
        %dma_wait3A = arith.constant 0 : i32
        %dma_wait3A_38 = arith.constant 0 : i32
        %dma_wait3A_39 = tpu.memref_slice %arg8[%dma_wait3A, %dma_wait3A_38] : memref<125x128xf32, #tpu.memory_space<vmem>> -> memref<16x128xf32, #tpu.memory_space<vmem>>
        %dma_wait3A_40 = arith.constant 9984 : i32
        %dma_wait3A_41 = arith.constant 0 : i32
        %dma_wait3A_42 = tpu.memref_slice %arg9[%dma_wait3A_40, %dma_wait3A_41] : memref<10000x128xf32, #tpu.memory_space<vmem_shared>> -> memref<16x128xf32, #tpu.memory_space<vmem_shared>>
        %dma_wait3A_43 = arith.constant 9984 : i32
        %dma_wait3A_44 = arith.constant 0 : i32
        %dma_wait3A_45 = tpu.memref_slice %arg9[%dma_wait3A_43, %dma_wait3A_44] : memref<10000x128xf32, #tpu.memory_space<vmem_shared>> -> memref<16x128xf32, #tpu.memory_space<vmem_shared>>
        %dma_wait3A_46 = arith.constant 0 : i32
        %dma_wait3A_47 = arith.constant 0 : i32
        %dma_wait3A_48 = tpu.memref_slice %arg8[%dma_wait3A_46, %dma_wait3A_47] : memref<125x128xf32, #tpu.memory_space<vmem>> -> memref<16x128xf32, #tpu.memory_space<vmem>>
        tpu.wait_dma2 semaphore(%run_scoped3A : memref<!tpu.dma_semaphore, #tpu.memory_space<semaphore_mem>>) src(%dma_wait3A_48 : memref<16x128xf32, #tpu.memory_space<vmem>>) dst(%dma_wait3A_45 : memref<16x128xf32, #tpu.memory_space<vmem_shared>>)
        tpu.yield
      }) : () -> ()
    } else {
    }
    %barrier3A = arith.constant 0 : index
    tpu.barrier barrier_id(%barrier3A)
    %mul3A_12 = arith.constant 16 : i32
    %mul3A_13 = arith.muli %arg0, %mul3A_12 : i32
    %add3A = arith.addi %mul3A_13, %arg1 : i32
    %mul3A_14 = arith.constant 80 : i32
    %mul3A_15 = arith.muli %add3A, %mul3A_14 : i32
    "tpu.region"() ({
      %run_scoped3A = tpu.sem_alloc : memref<!tpu.dma_semaphore, #tpu.memory_space<semaphore_mem>>
      %dma_start3A = arith.constant 0 : i32
      %dma_start3A_27 = tpu.memref_slice %arg3[%mul3A_15, %dma_start3A] : memref<2560x125xi32, #tpu.memory_space<hbm>> -> memref<80x125xi32, #tpu.memory_space<hbm>>
      %dma_start3A_28 = arith.constant 0 : i32
      %dma_start3A_29 = tpu.memref_slice %arg3[%mul3A_15, %dma_start3A_28] : memref<2560x125xi32, #tpu.memory_space<hbm>> -> memref<80x125xi32, #tpu.memory_space<hbm>>
      tpu.enqueue_dma source(%dma_start3A_29 : memref<80x125xi32, #tpu.memory_space<hbm>>) target(%arg6 : memref<80x125xi32, #tpu.memory_space<vmem>>) target_semaphore(%run_scoped3A : memref<!tpu.dma_semaphore, #tpu.memory_space<semaphore_mem>>)
      %dma_wait3A = arith.constant 0 : i32
      %dma_wait3A_30 = tpu.memref_slice %arg3[%mul3A_15, %dma_wait3A] : memref<2560x125xi32, #tpu.memory_space<hbm>> -> memref<80x125xi32, #tpu.memory_space<hbm>>
      %dma_wait3A_31 = arith.constant 0 : i32
      %dma_wait3A_32 = tpu.memref_slice %arg3[%mul3A_15, %dma_wait3A_31] : memref<2560x125xi32, #tpu.memory_space<hbm>> -> memref<80x125xi32, #tpu.memory_space<hbm>>
      tpu.wait_dma2 semaphore(%run_scoped3A : memref<!tpu.dma_semaphore, #tpu.memory_space<semaphore_mem>>) src(%dma_wait3A_32 : memref<80x125xi32, #tpu.memory_space<hbm>>) dst(%arg6 : memref<80x125xi32, #tpu.memory_space<vmem>>)
      tpu.yield
    }) : () -> ()
    "tpu.region"() ({
      %run_scoped3A = tpu.sem_alloc : memref<!tpu.dma_semaphore, #tpu.memory_space<semaphore_mem>>
      %dma_start3A = arith.constant 0 : i32
      %dma_start3A_27 = tpu.memref_slice %arg4[%mul3A_15, %dma_start3A] : memref<2560x125xi32, #tpu.memory_space<hbm>> -> memref<80x125xi32, #tpu.memory_space<hbm>>
      %dma_start3A_28 = arith.constant 0 : i32
      %dma_start3A_29 = tpu.memref_slice %arg4[%mul3A_15, %dma_start3A_28] : memref<2560x125xi32, #tpu.memory_space<hbm>> -> memref<80x125xi32, #tpu.memory_space<hbm>>
      tpu.enqueue_dma source(%dma_start3A_29 : memref<80x125xi32, #tpu.memory_space<hbm>>) target(%arg7 : memref<80x125xi32, #tpu.memory_space<vmem>>) target_semaphore(%run_scoped3A : memref<!tpu.dma_semaphore, #tpu.memory_space<semaphore_mem>>)
      %dma_wait3A = arith.constant 0 : i32
      %dma_wait3A_30 = tpu.memref_slice %arg4[%mul3A_15, %dma_wait3A] : memref<2560x125xi32, #tpu.memory_space<hbm>> -> memref<80x125xi32, #tpu.memory_space<hbm>>
      %dma_wait3A_31 = arith.constant 0 : i32
      %dma_wait3A_32 = tpu.memref_slice %arg4[%mul3A_15, %dma_wait3A_31] : memref<2560x125xi32, #tpu.memory_space<hbm>> -> memref<80x125xi32, #tpu.memory_space<hbm>>
      tpu.wait_dma2 semaphore(%run_scoped3A : memref<!tpu.dma_semaphore, #tpu.memory_space<semaphore_mem>>) src(%dma_wait3A_32 : memref<80x125xi32, #tpu.memory_space<hbm>>) dst(%arg7 : memref<80x125xi32, #tpu.memory_space<vmem>>)
      tpu.yield
    }) : () -> ()
    %scan3A_16 = arith.constant 0 : i32
    %scan3A_17 = arith.constant 80 : i32
    %scan3A_18 = arith.addi %scan3A_16, %scan3A_17 : i32
    %scan3A_19 = arith.constant 1 : i32
    scf.for %scan3A_27 = %scan3A_16 to %scan3A_18 step %scan3A_19  : i32 {
      %mul3A_28 = arith.constant 1 : i32
      %mul3A_29 = arith.muli %scan3A_27, %mul3A_28 : i32
      %add3A_30 = arith.constant 0 : i32
      %add3A_31 = arith.addi %add3A_30, %mul3A_29 : i32
      "tpu.region"() ({
        %run_scoped3A = tpu.sem_alloc : memref<!tpu.dma_semaphore, #tpu.memory_space<semaphore_mem>>
        %dma_start3A = arith.constant 0 : i32
        %dma_start3A_32 = tpu.memref_slice %arg6[%add3A_31, %dma_start3A] : memref<80x125xi32, #tpu.memory_space<vmem>> -> memref<1x125xi32, #tpu.memory_space<vmem>>
        %dma_start3A_33 = tpu.memref_squeeze %dma_start3A_32 : memref<1x125xi32, #tpu.memory_space<vmem>> -> memref<125xi32, #tpu.memory_space<vmem>>
        %dma_start3A_34 = arith.constant 0 : i32
        %dma_start3A_35 = arith.constant 0 : i32
        %dma_start3A_36 = tpu.memref_slice %arg2[%dma_start3A_34, %dma_start3A_35] : memref<10000x128xf32, #tpu.memory_space<hbm>> -> memref<10000x128xf32, #tpu.memory_space<hbm>>
        tpu.enqueue_indirect_dma source(%dma_start3A_36 : memref<10000x128xf32, #tpu.memory_space<hbm>>) target(%arg8 : memref<125x128xf32, #tpu.memory_space<vmem>>) offsets(%dma_start3A_33 : memref<125xi32, #tpu.memory_space<vmem>>) semaphore(%run_scoped3A : memref<!tpu.dma_semaphore, #tpu.memory_space<semaphore_mem>>)
        %dma_wait3A = arith.constant 0 : i32
        %dma_wait3A_37 = tpu.memref_slice %arg6[%add3A_31, %dma_wait3A] : memref<80x125xi32, #tpu.memory_space<vmem>> -> memref<1x125xi32, #tpu.memory_space<vmem>>
        %dma_wait3A_38 = tpu.memref_squeeze %dma_wait3A_37 : memref<1x125xi32, #tpu.memory_space<vmem>> -> memref<125xi32, #tpu.memory_space<vmem>>
        %dma_wait3A_39 = arith.constant 0 : i32
        %dma_wait3A_40 = arith.constant 0 : i32
        %dma_wait3A_41 = tpu.memref_slice %arg2[%dma_wait3A_39, %dma_wait3A_40] : memref<10000x128xf32, #tpu.memory_space<hbm>> -> memref<10000x128xf32, #tpu.memory_space<hbm>>
        tpu.wait_indirect_dma semaphore(%run_scoped3A : memref<!tpu.dma_semaphore, #tpu.memory_space<semaphore_mem>>) src(%dma_wait3A_41 : memref<10000x128xf32, #tpu.memory_space<hbm>>) dst(%arg8 : memref<125x128xf32, #tpu.memory_space<vmem>>)
        tpu.yield
      }) : () -> ()
      "tpu.region"() ({
        %run_scoped3A = tpu.sem_alloc : memref<!tpu.dma_semaphore, #tpu.memory_space<semaphore_mem>>
        %dma_start3A = arith.constant 0 : i32
        %dma_start3A_32 = tpu.memref_slice %arg7[%add3A_31, %dma_start3A] : memref<80x125xi32, #tpu.memory_space<vmem>> -> memref<1x125xi32, #tpu.memory_space<vmem>>
        %dma_start3A_33 = tpu.memref_squeeze %dma_start3A_32 : memref<1x125xi32, #tpu.memory_space<vmem>> -> memref<125xi32, #tpu.memory_space<vmem>>
        %dma_start3A_34 = arith.constant 0 : i32
        %dma_start3A_35 = arith.constant 0 : i32
        %dma_start3A_36 = tpu.memref_slice %arg9[%dma_start3A_34, %dma_start3A_35] : memref<10000x128xf32, #tpu.memory_space<vmem_shared>> -> memref<10000x128xf32, #tpu.memory_space<vmem_shared>>
        tpu.enqueue_indirect_dma source(%arg8 : memref<125x128xf32, #tpu.memory_space<vmem>>) target(%dma_start3A_36 : memref<10000x128xf32, #tpu.memory_space<vmem_shared>>) offsets(%dma_start3A_33 : memref<125xi32, #tpu.memory_space<vmem>>) semaphore(%run_scoped3A : memref<!tpu.dma_semaphore, #tpu.memory_space<semaphore_mem>>) {add = true}
        %dma_wait3A = arith.constant 0 : i32
        %dma_wait3A_37 = tpu.memref_slice %arg7[%add3A_31, %dma_wait3A] : memref<80x125xi32, #tpu.memory_space<vmem>> -> memref<1x125xi32, #tpu.memory_space<vmem>>
        %dma_wait3A_38 = tpu.memref_squeeze %dma_wait3A_37 : memref<1x125xi32, #tpu.memory_space<vmem>> -> memref<125xi32, #tpu.memory_space<vmem>>
        %dma_wait3A_39 = arith.constant 0 : i32
        %dma_wait3A_40 = arith.constant 0 : i32
        %dma_wait3A_41 = tpu.memref_slice %arg9[%dma_wait3A_39, %dma_wait3A_40] : memref<10000x128xf32, #tpu.memory_space<vmem_shared>> -> memref<10000x128xf32, #tpu.memory_space<vmem_shared>>
        tpu.wait_indirect_dma semaphore(%run_scoped3A : memref<!tpu.dma_semaphore, #tpu.memory_space<semaphore_mem>>) src(%arg8 : memref<125x128xf32, #tpu.memory_space<vmem>>) dst(%dma_wait3A_41 : memref<10000x128xf32, #tpu.memory_space<vmem_shared>>)
        tpu.yield
      }) : () -> ()
    }
    %scan3A_20 = arith.constant 80 : i32
    %barrier3A_21 = arith.constant 0 : index
    tpu.barrier barrier_id(%barrier3A_21)
    "tpu.region"() ({
      %run_scoped3A = tpu.sem_alloc : memref<!tpu.dma_semaphore, #tpu.memory_space<semaphore_mem>>
      %dma_start3A = arith.constant 0 : i32
      %dma_start3A_27 = tpu.memref_slice %arg5[%arg0, %mul3A_0, %dma_start3A] : memref<2x10000x128xf32, #tpu.memory_space<hbm>> -> memref<1x624x128xf32, #tpu.memory_space<hbm>>
      %dma_start3A_28 = tpu.memref_squeeze %dma_start3A_27 : memref<1x624x128xf32, #tpu.memory_space<hbm>> -> memref<624x128xf32, #tpu.memory_space<hbm>>
      %dma_start3A_29 = arith.constant 0 : i32
      %dma_start3A_30 = tpu.memref_slice %arg9[%mul3A_0, %dma_start3A_29] : memref<10000x128xf32, #tpu.memory_space<vmem_shared>> -> memref<624x128xf32, #tpu.memory_space<vmem_shared>>
      tpu.enqueue_dma source(%dma_start3A_30 : memref<624x128xf32, #tpu.memory_space<vmem_shared>>) target(%dma_start3A_28 : memref<624x128xf32, #tpu.memory_space<hbm>>) target_semaphore(%run_scoped3A : memref<!tpu.dma_semaphore, #tpu.memory_space<semaphore_mem>>)
      %dma_wait3A = arith.constant 0 : i32
      %dma_wait3A_31 = tpu.memref_slice %arg5[%arg0, %mul3A_0, %dma_wait3A] : memref<2x10000x128xf32, #tpu.memory_space<hbm>> -> memref<1x624x128xf32, #tpu.memory_space<hbm>>
      %dma_wait3A_32 = tpu.memref_squeeze %dma_wait3A_31 : memref<1x624x128xf32, #tpu.memory_space<hbm>> -> memref<624x128xf32, #tpu.memory_space<hbm>>
      %dma_wait3A_33 = arith.constant 0 : i32
      %dma_wait3A_34 = tpu.memref_slice %arg9[%mul3A_0, %dma_wait3A_33] : memref<10000x128xf32, #tpu.memory_space<vmem_shared>> -> memref<624x128xf32, #tpu.memory_space<vmem_shared>>
      tpu.wait_dma2 semaphore(%run_scoped3A : memref<!tpu.dma_semaphore, #tpu.memory_space<semaphore_mem>>) src(%dma_wait3A_34 : memref<624x128xf32, #tpu.memory_space<vmem_shared>>) dst(%dma_wait3A_32 : memref<624x128xf32, #tpu.memory_space<hbm>>)
      tpu.yield
    }) : () -> ()
    %eq3A_22 = arith.constant 15 : i32
    %eq3A_23 = arith.cmpi eq, %arg1, %eq3A_22 : i32
    %convert_element_type3A_24 = arith.extui %eq3A_23 : i1 to i32
    %cond3A_25 = arith.constant 0 : i32
    %cond3A_26 = arith.cmpi ne, %convert_element_type3A_24, %cond3A_25 : i32
    scf.if %cond3A_26 {
      "tpu.region"() ({
        %run_scoped3A = tpu.sem_alloc : memref<!tpu.dma_semaphore, #tpu.memory_space<semaphore_mem>>
        %dma_start3A = arith.constant 9984 : i32
        %dma_start3A_27 = arith.constant 0 : i32
        %dma_start3A_28 = tpu.memref_slice %arg5[%arg0, %dma_start3A, %dma_start3A_27] : memref<2x10000x128xf32, #tpu.memory_space<hbm>> -> memref<1x16x128xf32, #tpu.memory_space<hbm>>
        %dma_start3A_29 = tpu.memref_squeeze %dma_start3A_28 : memref<1x16x128xf32, #tpu.memory_space<hbm>> -> memref<16x128xf32, #tpu.memory_space<hbm>>
        %dma_start3A_30 = arith.constant 9984 : i32
        %dma_start3A_31 = arith.constant 0 : i32
        %dma_start3A_32 = tpu.memref_slice %arg9[%dma_start3A_30, %dma_start3A_31] : memref<10000x128xf32, #tpu.memory_space<vmem_shared>> -> memref<16x128xf32, #tpu.memory_space<vmem_shared>>
        tpu.enqueue_dma source(%dma_start3A_32 : memref<16x128xf32, #tpu.memory_space<vmem_shared>>) target(%dma_start3A_29 : memref<16x128xf32, #tpu.memory_space<hbm>>) target_semaphore(%run_scoped3A : memref<!tpu.dma_semaphore, #tpu.memory_space<semaphore_mem>>)
        %dma_wait3A = arith.constant 9984 : i32
        %dma_wait3A_33 = arith.constant 0 : i32
        %dma_wait3A_34 = tpu.memref_slice %arg5[%arg0, %dma_wait3A, %dma_wait3A_33] : memref<2x10000x128xf32, #tpu.memory_space<hbm>> -> memref<1x16x128xf32, #tpu.memory_space<hbm>>
        %dma_wait3A_35 = tpu.memref_squeeze %dma_wait3A_34 : memref<1x16x128xf32, #tpu.memory_space<hbm>> -> memref<16x128xf32, #tpu.memory_space<hbm>>
        %dma_wait3A_36 = arith.constant 9984 : i32
        %dma_wait3A_37 = arith.constant 0 : i32
        %dma_wait3A_38 = tpu.memref_slice %arg9[%dma_wait3A_36, %dma_wait3A_37] : memref<10000x128xf32, #tpu.memory_space<vmem_shared>> -> memref<16x128xf32, #tpu.memory_space<vmem_shared>>
        tpu.wait_dma2 semaphore(%run_scoped3A : memref<!tpu.dma_semaphore, #tpu.memory_space<semaphore_mem>>) src(%dma_wait3A_38 : memref<16x128xf32, #tpu.memory_space<vmem_shared>>) dst(%dma_wait3A_35 : memref<16x128xf32, #tpu.memory_space<hbm>>)
        tpu.yield
      }) : () -> ()
    } else {
    }
    return
  }
}

#map = affine_map<(d0, d1) -> (0, 0)>
#map1 = affine_map<(d0, d1) -> (0, 0, 0)>
module attributes {stable_mosaic.version = 14 : i64} {
  func.func @seg_sum(%arg0: i32, %arg1: i32, %arg2: memref<10000x128xf32, #tpu.memory_space<hbm>>, %arg3: memref<2560x125xi32, #tpu.memory_space<hbm>>, %arg4: memref<2560x125xi32, #tpu.memory_space<hbm>>, %arg5: memref<2x10000x128xf32, #tpu.memory_space<hbm>>, %arg6: memref<80x125xi32, #tpu.memory_space<vmem>>, %arg7: memref<80x125xi32, #tpu.memory_space<vmem>>, %arg8: memref<125x128xf32, #tpu.memory_space<vmem>>, %arg9: memref<10000x128xf32, #tpu.memory_space<vmem_shared>>) attributes {dimension_semantics = [#tpu.dimension_semantics<core_parallel>, #tpu.dimension_semantics<subcore_parallel>], iteration_bounds = array<i64: 2, 16>, scalar_prefetch = 0 : i64, scratch_operands = 4 : i64, tpu.core_type = #tpu.core_type<sc_vector_subcore>, window_params = [{transform_indices = #map}, {transform_indices = #map}, {transform_indices = #map}, {transform_indices = #map1}]} {
    %mul3A = arith.constant 624 : i32
    %mul3A_0 = arith.muli %arg1, %mul3A : i32
    %scan3A = arith.constant 0 : i32
    %scan3A_1 = arith.constant 104 : i32
    %scan3A_2 = arith.addi %scan3A, %scan3A_1 : i32
    %scan3A_3 = arith.constant 1 : i32
    scf.for %scan3A_27 = %scan3A to %scan3A_2 step %scan3A_3  : i32 {
      %mul3A_28 = arith.constant 1 : i32
      %mul3A_29 = arith.muli %scan3A_27, %mul3A_28 : i32
      %add3A_30 = arith.constant 0 : i32
      %add3A_31 = arith.addi %add3A_30, %mul3A_29 : i32
      %scan3A_32 = arith.constant 0 : i32
      %scan3A_33 = arith.constant 8 : i32
      %scan3A_34 = arith.addi %scan3A_32, %scan3A_33 : i32
      %scan3A_35 = arith.constant 1 : i32
      scf.for %scan3A_37 = %scan3A_32 to %scan3A_34 step %scan3A_35  : i32 {
        %mul3A_38 = arith.constant 16 : i32
        %mul3A_39 = arith.muli %scan3A_37, %mul3A_38 : i32
        %add3A_40 = arith.constant 0 : i32
        %add3A_41 = arith.addi %add3A_40, %mul3A_39 : i32
        %broadcast_in_dim3A = arith.constant 0.000000e+00 : f32
        %broadcast_in_dim3A_42 = vector.broadcast %broadcast_in_dim3A : f32 to vector<1x16xf32>
        %swap3A = arith.index_cast %add3A_31 : i32 to index
        %swap3A_43 = arith.index_cast %add3A_41 : i32 to index
        %swap3A_44 = tpu.vector_load %arg8[%swap3A, %swap3A_43] {strides = array<i32>} : memref<125x128xf32, #tpu.memory_space<vmem>>, vector<1x16xf32>,
        %swap3A_45 = vector.shape_cast %swap3A_44 : vector<1x16xf32> to vector<1x16xf32>
        %swap3A_46 = vector.shape_cast %broadcast_in_dim3A_42 : vector<1x16xf32> to vector<1x16xf32>
        tpu.vector_store %arg8[%swap3A, %swap3A_43], %swap3A_46 {strides = array<i32>} : memref<125x128xf32, #tpu.memory_space<vmem>>, vector<1x16xf32>,
      }
      %scan3A_36 = arith.constant 8 : i32
    }
    %scan3A_4 = arith.constant 104 : i32
    %scan3A_5 = arith.constant 0 : i32
    %scan3A_6 = arith.constant 6 : i32
    %scan3A_7 = arith.addi %scan3A_5, %scan3A_6 : i32
    %scan3A_8 = arith.constant 1 : i32
    scf.for %scan3A_27 = %scan3A_5 to %scan3A_7 step %scan3A_8  : i32 {
      %mul3A_28 = arith.constant 1 : i32
      %mul3A_29 = arith.muli %scan3A_27, %mul3A_28 : i32
      %add3A_30 = arith.constant 0 : i32
      %add3A_31 = arith.addi %add3A_30, %mul3A_29 : i32
      %mul3A_32 = arith.constant 104 : i32
      %mul3A_33 = arith.muli %add3A_31, %mul3A_32 : i32
      %add3A_34 = arith.addi %mul3A_0, %mul3A_33 : i32
      "tpu.region"() ({
        %run_scoped3A = tpu.sem_alloc : memref<!tpu.dma_semaphore, #tpu.memory_space<semaphore_mem>>
        %dma_start3A = arith.constant 0 : i32
        %dma_start3A_35 = arith.constant 0 : i32
        %dma_start3A_36 = tpu.memref_slice %arg8[%dma_start3A, %dma_start3A_35] : memref<125x128xf32, #tpu.memory_space<vmem>> -> memref<104x128xf32, #tpu.memory_space<vmem>>
        %dma_start3A_37 = arith.constant 0 : i32
        %dma_start3A_38 = tpu.memref_slice %arg9[%add3A_34, %dma_start3A_37] : memref<10000x128xf32, #tpu.memory_space<vmem_shared>> -> memref<104x128xf32, #tpu.memory_space<vmem_shared>>
        %dma_start3A_39 = arith.constant 0 : i32
        %dma_start3A_40 = tpu.memref_slice %arg9[%add3A_34, %dma_start3A_39] : memref<10000x128xf32, #tpu.memory_space<vmem_shared>> -> memref<104x128xf32, #tpu.memory_space<vmem_shared>>
        %dma_start3A_41 = arith.constant 0 : i32
        %dma_start3A_42 = arith.constant 0 : i32
        %dma_start3A_43 = tpu.memref_slice %arg8[%dma_start3A_41, %dma_start3A_42] : memref<125x128xf32, #tpu.memory_space<vmem>> -> memref<104x128xf32, #tpu.memory_space<vmem>>
        tpu.enqueue_dma source(%dma_start3A_43 : memref<104x128xf32, #tpu.memory_space<vmem>>) target(%dma_start3A_40 : memref<104x128xf32, #tpu.memory_space<vmem_shared>>) target_semaphore(%run_scoped3A : memref<!tpu.dma_semaphore, #tpu.memory_space<semaphore_mem>>)
        %dma_wait3A = arith.constant 0 : i32
        %dma_wait3A_44 = arith.constant 0 : i32
        %dma_wait3A_45 = tpu.memref_slice %arg8[%dma_wait3A, %dma_wait3A_44] : memref<125x128xf32, #tpu.memory_space<vmem>> -> memref<104x128xf32, #tpu.memory_space<vmem>>
        %dma_wait3A_46 = arith.constant 0 : i32
        %dma_wait3A_47 = tpu.memref_slice %arg9[%add3A_34, %dma_wait3A_46] : memref<10000x128xf32, #tpu.memory_space<vmem_shared>> -> memref<104x128xf32, #tpu.memory_space<vmem_shared>>
        %dma_wait3A_48 = arith.constant 0 : i32
        %dma_wait3A_49 = tpu.memref_slice %arg9[%add3A_34, %dma_wait3A_48] : memref<10000x128xf32, #tpu.memory_space<vmem_shared>> -> memref<104x128xf32, #tpu.memory_space<vmem_shared>>
        %dma_wait3A_50 = arith.constant 0 : i32
        %dma_wait3A_51 = arith.constant 0 : i32
        %dma_wait3A_52 = tpu.memref_slice %arg8[%dma_wait3A_50, %dma_wait3A_51] : memref<125x128xf32, #tpu.memory_space<vmem>> -> memref<104x128xf32, #tpu.memory_space<vmem>>
        tpu.wait_dma2 semaphore(%run_scoped3A : memref<!tpu.dma_semaphore, #tpu.memory_space<semaphore_mem>>) src(%dma_wait3A_52 : memref<104x128xf32, #tpu.memory_space<vmem>>) dst(%dma_wait3A_49 : memref<104x128xf32, #tpu.memory_space<vmem_shared>>)
        tpu.yield
      }) : () -> ()
    }
    %scan3A_9 = arith.constant 6 : i32
    %eq3A = arith.constant 15 : i32
    %eq3A_10 = arith.cmpi eq, %arg1, %eq3A : i32
    %convert_element_type3A = arith.extui %eq3A_10 : i1 to i32
    %cond3A = arith.constant 0 : i32
    %cond3A_11 = arith.cmpi ne, %convert_element_type3A, %cond3A : i32
    scf.if %cond3A_11 {
      "tpu.region"() ({
        %run_scoped3A = tpu.sem_alloc : memref<!tpu.dma_semaphore, #tpu.memory_space<semaphore_mem>>
        %dma_start3A = arith.constant 0 : i32
        %dma_start3A_27 = arith.constant 0 : i32
        %dma_start3A_28 = tpu.memref_slice %arg8[%dma_start3A, %dma_start3A_27] : memref<125x128xf32, #tpu.memory_space<vmem>> -> memref<16x128xf32, #tpu.memory_space<vmem>>
        %dma_start3A_29 = arith.constant 9984 : i32
        %dma_start3A_30 = arith.constant 0 : i32
        %dma_start3A_31 = tpu.memref_slice %arg9[%dma_start3A_29, %dma_start3A_30] : memref<10000x128xf32, #tpu.memory_space<vmem_shared>> -> memref<16x128xf32, #tpu.memory_space<vmem_shared>>
        %dma_start3A_32 = arith.constant 9984 : i32
        %dma_start3A_33 = arith.constant 0 : i32
        %dma_start3A_34 = tpu.memref_slice %arg9[%dma_start3A_32, %dma_start3A_33] : memref<10000x128xf32, #tpu.memory_space<vmem_shared>> -> memref<16x128xf32, #tpu.memory_space<vmem_shared>>
        %dma_start3A_35 = arith.constant 0 : i32
        %dma_start3A_36 = arith.constant 0 : i32
        %dma_start3A_37 = tpu.memref_slice %arg8[%dma_start3A_35, %dma_start3A_36] : memref<125x128xf32, #tpu.memory_space<vmem>> -> memref<16x128xf32, #tpu.memory_space<vmem>>
        tpu.enqueue_dma source(%dma_start3A_37 : memref<16x128xf32, #tpu.memory_space<vmem>>) target(%dma_start3A_34 : memref<16x128xf32, #tpu.memory_space<vmem_shared>>) target_semaphore(%run_scoped3A : memref<!tpu.dma_semaphore, #tpu.memory_space<semaphore_mem>>)
        %dma_wait3A = arith.constant 0 : i32
        %dma_wait3A_38 = arith.constant 0 : i32
        %dma_wait3A_39 = tpu.memref_slice %arg8[%dma_wait3A, %dma_wait3A_38] : memref<125x128xf32, #tpu.memory_space<vmem>> -> memref<16x128xf32, #tpu.memory_space<vmem>>
        %dma_wait3A_40 = arith.constant 9984 : i32
        %dma_wait3A_41 = arith.constant 0 : i32
        %dma_wait3A_42 = tpu.memref_slice %arg9[%dma_wait3A_40, %dma_wait3A_41] : memref<10000x128xf32, #tpu.memory_space<vmem_shared>> -> memref<16x128xf32, #tpu.memory_space<vmem_shared>>
        %dma_wait3A_43 = arith.constant 9984 : i32
        %dma_wait3A_44 = arith.constant 0 : i32
        %dma_wait3A_45 = tpu.memref_slice %arg9[%dma_wait3A_43, %dma_wait3A_44] : memref<10000x128xf32, #tpu.memory_space<vmem_shared>> -> memref<16x128xf32, #tpu.memory_space<vmem_shared>>
        %dma_wait3A_46 = arith.constant 0 : i32
        %dma_wait3A_47 = arith.constant 0 : i32
        %dma_wait3A_48 = tpu.memref_slice %arg8[%dma_wait3A_46, %dma_wait3A_47] : memref<125x128xf32, #tpu.memory_space<vmem>> -> memref<16x128xf32, #tpu.memory_space<vmem>>
        tpu.wait_dma2 semaphore(%run_scoped3A : memref<!tpu.dma_semaphore, #tpu.memory_space<semaphore_mem>>) src(%dma_wait3A_48 : memref<16x128xf32, #tpu.memory_space<vmem>>) dst(%dma_wait3A_45 : memref<16x128xf32, #tpu.memory_space<vmem_shared>>)
        tpu.yield
      }) : () -> ()
    } else {
    }
    %barrier3A = arith.constant 0 : index
    tpu.barrier barrier_id(%barrier3A)
    %mul3A_12 = arith.constant 16 : i32
    %mul3A_13 = arith.muli %arg0, %mul3A_12 : i32
    %add3A = arith.addi %mul3A_13, %arg1 : i32
    %mul3A_14 = arith.constant 80 : i32
    %mul3A_15 = arith.muli %add3A, %mul3A_14 : i32
    "tpu.region"() ({
      %run_scoped3A = tpu.sem_alloc : memref<!tpu.dma_semaphore, #tpu.memory_space<semaphore_mem>>
      %dma_start3A = arith.constant 0 : i32
      %dma_start3A_27 = tpu.memref_slice %arg3[%mul3A_15, %dma_start3A] : memref<2560x125xi32, #tpu.memory_space<hbm>> -> memref<80x125xi32, #tpu.memory_space<hbm>>
      %dma_start3A_28 = arith.constant 0 : i32
      %dma_start3A_29 = tpu.memref_slice %arg3[%mul3A_15, %dma_start3A_28] : memref<2560x125xi32, #tpu.memory_space<hbm>> -> memref<80x125xi32, #tpu.memory_space<hbm>>
      tpu.enqueue_dma source(%dma_start3A_29 : memref<80x125xi32, #tpu.memory_space<hbm>>) target(%arg6 : memref<80x125xi32, #tpu.memory_space<vmem>>) target_semaphore(%run_scoped3A : memref<!tpu.dma_semaphore, #tpu.memory_space<semaphore_mem>>)
      %dma_wait3A = arith.constant 0 : i32
      %dma_wait3A_30 = tpu.memref_slice %arg3[%mul3A_15, %dma_wait3A] : memref<2560x125xi32, #tpu.memory_space<hbm>> -> memref<80x125xi32, #tpu.memory_space<hbm>>
      %dma_wait3A_31 = arith.constant 0 : i32
      %dma_wait3A_32 = tpu.memref_slice %arg3[%mul3A_15, %dma_wait3A_31] : memref<2560x125xi32, #tpu.memory_space<hbm>> -> memref<80x125xi32, #tpu.memory_space<hbm>>
      tpu.wait_dma2 semaphore(%run_scoped3A : memref<!tpu.dma_semaphore, #tpu.memory_space<semaphore_mem>>) src(%dma_wait3A_32 : memref<80x125xi32, #tpu.memory_space<hbm>>) dst(%arg6 : memref<80x125xi32, #tpu.memory_space<vmem>>)
      tpu.yield
    }) : () -> ()
    "tpu.region"() ({
      %run_scoped3A = tpu.sem_alloc : memref<!tpu.dma_semaphore, #tpu.memory_space<semaphore_mem>>
      %dma_start3A = arith.constant 0 : i32
      %dma_start3A_27 = tpu.memref_slice %arg4[%mul3A_15, %dma_start3A] : memref<2560x125xi32, #tpu.memory_space<hbm>> -> memref<80x125xi32, #tpu.memory_space<hbm>>
      %dma_start3A_28 = arith.constant 0 : i32
      %dma_start3A_29 = tpu.memref_slice %arg4[%mul3A_15, %dma_start3A_28] : memref<2560x125xi32, #tpu.memory_space<hbm>> -> memref<80x125xi32, #tpu.memory_space<hbm>>
      tpu.enqueue_dma source(%dma_start3A_29 : memref<80x125xi32, #tpu.memory_space<hbm>>) target(%arg7 : memref<80x125xi32, #tpu.memory_space<vmem>>) target_semaphore(%run_scoped3A : memref<!tpu.dma_semaphore, #tpu.memory_space<semaphore_mem>>)
      %dma_wait3A = arith.constant 0 : i32
      %dma_wait3A_30 = tpu.memref_slice %arg4[%mul3A_15, %dma_wait3A] : memref<2560x125xi32, #tpu.memory_space<hbm>> -> memref<80x125xi32, #tpu.memory_space<hbm>>
      %dma_wait3A_31 = arith.constant 0 : i32
      %dma_wait3A_32 = tpu.memref_slice %arg4[%mul3A_15, %dma_wait3A_31] : memref<2560x125xi32, #tpu.memory_space<hbm>> -> memref<80x125xi32, #tpu.memory_space<hbm>>
      tpu.wait_dma2 semaphore(%run_scoped3A : memref<!tpu.dma_semaphore, #tpu.memory_space<semaphore_mem>>) src(%dma_wait3A_32 : memref<80x125xi32, #tpu.memory_space<hbm>>) dst(%arg7 : memref<80x125xi32, #tpu.memory_space<vmem>>)
      tpu.yield
    }) : () -> ()
    %scan3A_16 = arith.constant 0 : i32
    %scan3A_17 = arith.constant 80 : i32
    %scan3A_18 = arith.addi %scan3A_16, %scan3A_17 : i32
    %scan3A_19 = arith.constant 1 : i32
    scf.for %scan3A_27 = %scan3A_16 to %scan3A_18 step %scan3A_19  : i32 {
      %mul3A_28 = arith.constant 1 : i32
      %mul3A_29 = arith.muli %scan3A_27, %mul3A_28 : i32
      %add3A_30 = arith.constant 0 : i32
      %add3A_31 = arith.addi %add3A_30, %mul3A_29 : i32
      "tpu.region"() ({
        %run_scoped3A = tpu.sem_alloc : memref<!tpu.dma_semaphore, #tpu.memory_space<semaphore_mem>>
        %dma_start3A = arith.constant 0 : i32
        %dma_start3A_32 = tpu.memref_slice %arg6[%add3A_31, %dma_start3A] : memref<80x125xi32, #tpu.memory_space<vmem>> -> memref<1x125xi32, #tpu.memory_space<vmem>>
        %dma_start3A_33 = tpu.memref_squeeze %dma_start3A_32 : memref<1x125xi32, #tpu.memory_space<vmem>> -> memref<125xi32, #tpu.memory_space<vmem>>
        %dma_start3A_34 = arith.constant 0 : i32
        %dma_start3A_35 = arith.constant 0 : i32
        %dma_start3A_36 = tpu.memref_slice %arg2[%dma_start3A_34, %dma_start3A_35] : memref<10000x128xf32, #tpu.memory_space<hbm>> -> memref<10000x128xf32, #tpu.memory_space<hbm>>
        tpu.enqueue_indirect_dma source(%dma_start3A_36 : memref<10000x128xf32, #tpu.memory_space<hbm>>) target(%arg8 : memref<125x128xf32, #tpu.memory_space<vmem>>) offsets(%dma_start3A_33 : memref<125xi32, #tpu.memory_space<vmem>>) semaphore(%run_scoped3A : memref<!tpu.dma_semaphore, #tpu.memory_space<semaphore_mem>>)
        %dma_wait3A = arith.constant 0 : i32
        %dma_wait3A_37 = tpu.memref_slice %arg6[%add3A_31, %dma_wait3A] : memref<80x125xi32, #tpu.memory_space<vmem>> -> memref<1x125xi32, #tpu.memory_space<vmem>>
        %dma_wait3A_38 = tpu.memref_squeeze %dma_wait3A_37 : memref<1x125xi32, #tpu.memory_space<vmem>> -> memref<125xi32, #tpu.memory_space<vmem>>
        %dma_wait3A_39 = arith.constant 0 : i32
        %dma_wait3A_40 = arith.constant 0 : i32
        %dma_wait3A_41 = tpu.memref_slice %arg2[%dma_wait3A_39, %dma_wait3A_40] : memref<10000x128xf32, #tpu.memory_space<hbm>> -> memref<10000x128xf32, #tpu.memory_space<hbm>>
        tpu.wait_indirect_dma semaphore(%run_scoped3A : memref<!tpu.dma_semaphore, #tpu.memory_space<semaphore_mem>>) src(%dma_wait3A_41 : memref<10000x128xf32, #tpu.memory_space<hbm>>) dst(%arg8 : memref<125x128xf32, #tpu.memory_space<vmem>>)
        tpu.yield
      }) : () -> ()
      "tpu.region"() ({
        %run_scoped3A = tpu.sem_alloc : memref<!tpu.dma_semaphore, #tpu.memory_space<semaphore_mem>>
        %dma_start3A = arith.constant 0 : i32
        %dma_start3A_32 = tpu.memref_slice %arg7[%add3A_31, %dma_start3A] : memref<80x125xi32, #tpu.memory_space<vmem>> -> memref<1x125xi32, #tpu.memory_space<vmem>>
        %dma_start3A_33 = tpu.memref_squeeze %dma_start3A_32 : memref<1x125xi32, #tpu.memory_space<vmem>> -> memref<125xi32, #tpu.memory_space<vmem>>
        %dma_start3A_34 = arith.constant 0 : i32
        %dma_start3A_35 = arith.constant 0 : i32
        %dma_start3A_36 = tpu.memref_slice %arg9[%dma_start3A_34, %dma_start3A_35] : memref<10000x128xf32, #tpu.memory_space<vmem_shared>> -> memref<10000x128xf32, #tpu.memory_space<vmem_shared>>
        tpu.enqueue_indirect_dma source(%arg8 : memref<125x128xf32, #tpu.memory_space<vmem>>) target(%dma_start3A_36 : memref<10000x128xf32, #tpu.memory_space<vmem_shared>>) offsets(%dma_start3A_33 : memref<125xi32, #tpu.memory_space<vmem>>) semaphore(%run_scoped3A : memref<!tpu.dma_semaphore, #tpu.memory_space<semaphore_mem>>) {add = true}
        %dma_wait3A = arith.constant 0 : i32
        %dma_wait3A_37 = tpu.memref_slice %arg7[%add3A_31, %dma_wait3A] : memref<80x125xi32, #tpu.memory_space<vmem>> -> memref<1x125xi32, #tpu.memory_space<vmem>>
        %dma_wait3A_38 = tpu.memref_squeeze %dma_wait3A_37 : memref<1x125xi32, #tpu.memory_space<vmem>> -> memref<125xi32, #tpu.memory_space<vmem>>
        %dma_wait3A_39 = arith.constant 0 : i32
        %dma_wait3A_40 = arith.constant 0 : i32
        %dma_wait3A_41 = tpu.memref_slice %arg9[%dma_wait3A_39, %dma_wait3A_40] : memref<10000x128xf32, #tpu.memory_space<vmem_shared>> -> memref<10000x128xf32, #tpu.memory_space<vmem_shared>>
        tpu.wait_indirect_dma semaphore(%run_scoped3A : memref<!tpu.dma_semaphore, #tpu.memory_space<semaphore_mem>>) src(%arg8 : memref<125x128xf32, #tpu.memory_space<vmem>>) dst(%dma_wait3A_41 : memref<10000x128xf32, #tpu.memory_space<vmem_shared>>)
        tpu.yield
      }) : () -> ()
    }
    %scan3A_20 = arith.constant 80 : i32
    %barrier3A_21 = arith.constant 0 : index
    tpu.barrier barrier_id(%barrier3A_21)
    "tpu.region"() ({
      %run_scoped3A = tpu.sem_alloc : memref<!tpu.dma_semaphore, #tpu.memory_space<semaphore_mem>>
      %dma_start3A = arith.constant 0 : i32
      %dma_start3A_27 = tpu.memref_slice %arg5[%arg0, %mul3A_0, %dma_start3A] : memref<2x10000x128xf32, #tpu.memory_space<hbm>> -> memref<1x624x128xf32, #tpu.memory_space<hbm>>
      %dma_start3A_28 = tpu.memref_squeeze %dma_start3A_27 : memref<1x624x128xf32, #tpu.memory_space<hbm>> -> memref<624x128xf32, #tpu.memory_space<hbm>>
      %dma_start3A_29 = arith.constant 0 : i32
      %dma_start3A_30 = tpu.memref_slice %arg9[%mul3A_0, %dma_start3A_29] : memref<10000x128xf32, #tpu.memory_space<vmem_shared>> -> memref<624x128xf32, #tpu.memory_space<vmem_shared>>
      tpu.enqueue_dma source(%dma_start3A_30 : memref<624x128xf32, #tpu.memory_space<vmem_shared>>) target(%dma_start3A_28 : memref<624x128xf32, #tpu.memory_space<hbm>>) target_semaphore(%run_scoped3A : memref<!tpu.dma_semaphore, #tpu.memory_space<semaphore_mem>>)
      %dma_wait3A = arith.constant 0 : i32
      %dma_wait3A_31 = tpu.memref_slice %arg5[%arg0, %mul3A_0, %dma_wait3A] : memref<2x10000x128xf32, #tpu.memory_space<hbm>> -> memref<1x624x128xf32, #tpu.memory_space<hbm>>
      %dma_wait3A_32 = tpu.memref_squeeze %dma_wait3A_31 : memref<1x624x128xf32, #tpu.memory_space<hbm>> -> memref<624x128xf32, #tpu.memory_space<hbm>>
      %dma_wait3A_33 = arith.constant 0 : i32
      %dma_wait3A_34 = tpu.memref_slice %arg9[%mul3A_0, %dma_wait3A_33] : memref<10000x128xf32, #tpu.memory_space<vmem_shared>> -> memref<624x128xf32, #tpu.memory_space<vmem_shared>>
      tpu.wait_dma2 semaphore(%run_scoped3A : memref<!tpu.dma_semaphore, #tpu.memory_space<semaphore_mem>>) src(%dma_wait3A_34 : memref<624x128xf32, #tpu.memory_space<vmem_shared>>) dst(%dma_wait3A_32 : memref<624x128xf32, #tpu.memory_space<hbm>>)
      tpu.yield
    }) : () -> ()
    %eq3A_22 = arith.constant 15 : i32
    %eq3A_23 = arith.cmpi eq, %arg1, %eq3A_22 : i32
    %convert_element_type3A_24 = arith.extui %eq3A_23 : i1 to i32
    %cond3A_25 = arith.constant 0 : i32
    %cond3A_26 = arith.cmpi ne, %convert_element_type3A_24, %cond3A_25 : i32
    scf.if %cond3A_26 {
      "tpu.region"() ({
        %run_scoped3A = tpu.sem_alloc : memref<!tpu.dma_semaphore, #tpu.memory_space<semaphore_mem>>
        %dma_start3A = arith.constant 9984 : i32
        %dma_start3A_27 = arith.constant 0 : i32
        %dma_start3A_28 = tpu.memref_slice %arg5[%arg0, %dma_start3A, %dma_start3A_27] : memref<2x10000x128xf32, #tpu.memory_space<hbm>> -> memref<1x16x128xf32, #tpu.memory_space<hbm>>
        %dma_start3A_29 = tpu.memref_squeeze %dma_start3A_28 : memref<1x16x128xf32, #tpu.memory_space<hbm>> -> memref<16x128xf32, #tpu.memory_space<hbm>>
        %dma_start3A_30 = arith.constant 9984 : i32
        %dma_start3A_31 = arith.constant 0 : i32
        %dma_start3A_32 = tpu.memref_slice %arg9[%dma_start3A_30, %dma_start3A_31] : memref<10000x128xf32, #tpu.memory_space<vmem_shared>> -> memref<16x128xf32, #tpu.memory_space<vmem_shared>>
        tpu.enqueue_dma source(%dma_start3A_32 : memref<16x128xf32, #tpu.memory_space<vmem_shared>>) target(%dma_start3A_29 : memref<16x128xf32, #tpu.memory_space<hbm>>) target_semaphore(%run_scoped3A : memref<!tpu.dma_semaphore, #tpu.memory_space<semaphore_mem>>)
        %dma_wait3A = arith.constant 9984 : i32
        %dma_wait3A_33 = arith.constant 0 : i32
        %dma_wait3A_34 = tpu.memref_slice %arg5[%arg0, %dma_wait3A, %dma_wait3A_33] : memref<2x10000x128xf32, #tpu.memory_space<hbm>> -> memref<1x16x128xf32, #tpu.memory_space<hbm>>
        %dma_wait3A_35 = tpu.memref_squeeze %dma_wait3A_34 : memref<1x16x128xf32, #tpu.memory_space<hbm>> -> memref<16x128xf32, #tpu.memory_space<hbm>>
        %dma_wait3A_36 = arith.constant 9984 : i32
        %dma_wait3A_37 = arith.constant 0 : i32
        %dma_wait3A_38 = tpu.memref_slice %arg9[%dma_wait3A_36, %dma_wait3A_37] : memref<10000x128xf32, #tpu.memory_space<vmem_shared>> -> memref<16x128xf32, #tpu.memory_space<vmem_shared>>
        tpu.wait_dma2 semaphore(%run_scoped3A : memref<!tpu.dma_semaphore, #tpu.memory_space<semaphore_mem>>) src(%dma_wait3A_38 : memref<16x128xf32, #tpu.memory_space<vmem_shared>>) dst(%dma_wait3A_35 : memref<16x128xf32, #tpu.memory_space<hbm>>)
        tpu.yield
      }) : () -> ()
    } else {
    }
    return
  }
}

module attributes {stable_mosaic.version = 14 : i64} {
  func.func @_mlp_body(%arg0: memref<10000x128xf32, #tpu.memory_space<vmem>>, %arg1: memref<10000x128xf32, #tpu.memory_space<vmem>>, %arg2: memref<10000x128xf32, #tpu.memory_space<vmem>>, %arg3: memref<1x128xf32, #tpu.memory_space<vmem>>, %arg4: memref<128x128xf32, #tpu.memory_space<vmem>>, %arg5: memref<1x128xf32, #tpu.memory_space<vmem>>, %arg6: memref<1x128xf32, #tpu.memory_space<vmem>>, %arg7: memref<1x128xf32, #tpu.memory_space<vmem>>, %arg8: memref<128x128xf32, #tpu.memory_space<vmem>>, %arg9: memref<1x128xf32, #tpu.memory_space<vmem>>, %arg10: memref<1x128xf32, #tpu.memory_space<vmem>>, %arg11: memref<1x128xf32, #tpu.memory_space<vmem>>, %arg12: memref<10000x128xf32, #tpu.memory_space<vmem>>) attributes {dimension_semantics = [], scalar_prefetch = 0 : i64, scratch_operands = 0 : i64, tpu.core_type = #tpu.core_type<tc>} {
    %get3A = arith.constant 0 : index
    %get3A_0 = arith.constant 0 : index
    %get3A_1 = vector.load %arg0[%get3A, %get3A_0] : memref<10000x128xf32, #tpu.memory_space<vmem>>, vector<10000x128xf32>
    %get3A_2 = arith.constant 0 : index
    %get3A_3 = arith.constant 0 : index
    %get3A_4 = vector.load %arg3[%get3A_2, %get3A_3] : memref<1x128xf32, #tpu.memory_space<vmem>>, vector<1x128xf32>
    %mul3A = vector.broadcast %get3A_4 : vector<1x128xf32> to vector<10000x128xf32>
    %mul3A_5 = arith.mulf %get3A_1, %mul3A : vector<10000x128xf32>
    %get3A_6 = arith.constant 0 : index
    %get3A_7 = arith.constant 0 : index
    %get3A_8 = vector.load %arg1[%get3A_6, %get3A_7] : memref<10000x128xf32, #tpu.memory_space<vmem>>, vector<10000x128xf32>
    %get3A_9 = arith.constant 0 : index
    %get3A_10 = arith.constant 0 : index
    %get3A_11 = vector.load %arg2[%get3A_9, %get3A_10] : memref<10000x128xf32, #tpu.memory_space<vmem>>, vector<10000x128xf32>
    %add3A = arith.addf %get3A_8, %get3A_11 : vector<10000x128xf32>
    %add3A_12 = arith.addf %mul3A_5, %add3A : vector<10000x128xf32>
    %get3A_13 = arith.constant 0 : index
    %get3A_14 = arith.constant 0 : index
    %get3A_15 = vector.load %arg4[%get3A_13, %get3A_14] : memref<128x128xf32, #tpu.memory_space<vmem>>, vector<128x128xf32>
    %dot_general3A = arith.constant dense<0.000000e+00> : vector<10000x128xf32>
    %dot_general3A_16 = tpu.matmul %add3A_12, %get3A_15, %dot_general3A {dimension_numbers = #tpu.dot_dimension_numbers<[1], [0], [0], [1], [0, 0, 1, 1], [], []>, precision = #tpu.contract_precision<fp32>, transpose_lhs_hint = false} : vector<10000x128xf32>, vector<128x128xf32>, vector<10000x128xf32> -> vector<10000x128xf32>
    %get3A_17 = arith.constant 0 : index
    %get3A_18 = arith.constant 0 : index
    %get3A_19 = vector.load %arg5[%get3A_17, %get3A_18] : memref<1x128xf32, #tpu.memory_space<vmem>>, vector<1x128xf32>
    %add3A_20 = vector.broadcast %get3A_19 : vector<1x128xf32> to vector<10000x128xf32>
    %add3A_21 = arith.addf %dot_general3A_16, %add3A_20 : vector<10000x128xf32>
    %reduce_sum3A = arith.constant dense<0.000000e+00> : vector<128xf32>
    %reduce_sum3A_22 = vector.multi_reduction <add>, %add3A_21, %reduce_sum3A [0] : vector<10000x128xf32> to vector<128xf32>
    %broadcast_in_dim3A = vector.shape_cast %reduce_sum3A_22 : vector<128xf32> to vector<1x128xf32>
    %div3A = arith.constant 1.000000e+04 : f32
    %div3A_23 = vector.broadcast %div3A : f32 to vector<1x128xf32>
    %div3A_24 = arith.divf %broadcast_in_dim3A, %div3A_23 : vector<1x128xf32>
    %sub3A = vector.broadcast %div3A_24 : vector<1x128xf32> to vector<10000x128xf32>
    %sub3A_25 = arith.subf %add3A_21, %sub3A : vector<10000x128xf32>
    %integer_pow3A = arith.mulf %sub3A_25, %sub3A_25 : vector<10000x128xf32>
    %reduce_sum3A_26 = arith.constant dense<0.000000e+00> : vector<128xf32>
    %reduce_sum3A_27 = vector.multi_reduction <add>, %integer_pow3A, %reduce_sum3A_26 [0] : vector<10000x128xf32> to vector<128xf32>
    %broadcast_in_dim3A_28 = vector.shape_cast %reduce_sum3A_27 : vector<128xf32> to vector<1x128xf32>
    %div3A_29 = arith.constant 1.000000e+04 : f32
    %div3A_30 = vector.broadcast %div3A_29 : f32 to vector<1x128xf32>
    %div3A_31 = arith.divf %broadcast_in_dim3A_28, %div3A_30 : vector<1x128xf32>
    %sub3A_32 = vector.broadcast %div3A_24 : vector<1x128xf32> to vector<10000x128xf32>
    %sub3A_33 = arith.subf %add3A_21, %sub3A_32 : vector<10000x128xf32>
    %add3A_34 = arith.constant 9.99999974E-6 : f32
    %add3A_35 = vector.broadcast %add3A_34 : f32 to vector<1x128xf32>
    %add3A_36 = arith.addf %div3A_31, %add3A_35 : vector<1x128xf32>
    %sqrt3A = math.sqrt %add3A_36 : vector<1x128xf32>
    %div3A_37 = vector.broadcast %sqrt3A : vector<1x128xf32> to vector<10000x128xf32>
    %div3A_38 = arith.divf %sub3A_33, %div3A_37 : vector<10000x128xf32>
    %get3A_39 = arith.constant 0 : index
    %get3A_40 = arith.constant 0 : index
    %get3A_41 = vector.load %arg6[%get3A_39, %get3A_40] : memref<1x128xf32, #tpu.memory_space<vmem>>, vector<1x128xf32>
    %mul3A_42 = vector.broadcast %get3A_41 : vector<1x128xf32> to vector<10000x128xf32>
    %mul3A_43 = arith.mulf %div3A_38, %mul3A_42 : vector<10000x128xf32>
    %get3A_44 = arith.constant 0 : index
    %get3A_45 = arith.constant 0 : index
    %get3A_46 = vector.load %arg7[%get3A_44, %get3A_45] : memref<1x128xf32, #tpu.memory_space<vmem>>, vector<1x128xf32>
    %add3A_47 = vector.broadcast %get3A_46 : vector<1x128xf32> to vector<10000x128xf32>
    %add3A_48 = arith.addf %mul3A_43, %add3A_47 : vector<10000x128xf32>
    %ge3A = arith.constant 0.000000e+00 : f32
    %ge3A_49 = vector.broadcast %ge3A : f32 to vector<10000x128xf32>
    %ge3A_50 = arith.cmpf oge, %add3A_48, %ge3A_49 : vector<10000x128xf32>
    %mul3A_51 = arith.constant 0.00999999977 : f32
    %mul3A_52 = vector.broadcast %mul3A_51 : f32 to vector<10000x128xf32>
    %mul3A_53 = arith.mulf %mul3A_52, %add3A_48 : vector<10000x128xf32>
    %select_n3A = arith.select %ge3A_50, %add3A_48, %mul3A_53 : vector<10000x128xi1>, vector<10000x128xf32>
    %get3A_54 = arith.constant 0 : index
    %get3A_55 = arith.constant 0 : index
    %get3A_56 = vector.load %arg8[%get3A_54, %get3A_55] : memref<128x128xf32, #tpu.memory_space<vmem>>, vector<128x128xf32>
    %dot_general3A_57 = arith.constant dense<0.000000e+00> : vector<10000x128xf32>
    %dot_general3A_58 = tpu.matmul %select_n3A, %get3A_56, %dot_general3A_57 {dimension_numbers = #tpu.dot_dimension_numbers<[1], [0], [0], [1], [0, 0, 1, 1], [], []>, precision = #tpu.contract_precision<fp32>, transpose_lhs_hint = false} : vector<10000x128xf32>, vector<128x128xf32>, vector<10000x128xf32> -> vector<10000x128xf32>
    %get3A_59 = arith.constant 0 : index
    %get3A_60 = arith.constant 0 : index
    %get3A_61 = vector.load %arg9[%get3A_59, %get3A_60] : memref<1x128xf32, #tpu.memory_space<vmem>>, vector<1x128xf32>
    %add3A_62 = vector.broadcast %get3A_61 : vector<1x128xf32> to vector<10000x128xf32>
    %add3A_63 = arith.addf %dot_general3A_58, %add3A_62 : vector<10000x128xf32>
    %reduce_sum3A_64 = arith.constant dense<0.000000e+00> : vector<128xf32>
    %reduce_sum3A_65 = vector.multi_reduction <add>, %add3A_63, %reduce_sum3A_64 [0] : vector<10000x128xf32> to vector<128xf32>
    %broadcast_in_dim3A_66 = vector.shape_cast %reduce_sum3A_65 : vector<128xf32> to vector<1x128xf32>
    %div3A_67 = arith.constant 1.000000e+04 : f32
    %div3A_68 = vector.broadcast %div3A_67 : f32 to vector<1x128xf32>
    %div3A_69 = arith.divf %broadcast_in_dim3A_66, %div3A_68 : vector<1x128xf32>
    %sub3A_70 = vector.broadcast %div3A_69 : vector<1x128xf32> to vector<10000x128xf32>
    %sub3A_71 = arith.subf %add3A_63, %sub3A_70 : vector<10000x128xf32>
    %integer_pow3A_72 = arith.mulf %sub3A_71, %sub3A_71 : vector<10000x128xf32>
    %reduce_sum3A_73 = arith.constant dense<0.000000e+00> : vector<128xf32>
    %reduce_sum3A_74 = vector.multi_reduction <add>, %integer_pow3A_72, %reduce_sum3A_73 [0] : vector<10000x128xf32> to vector<128xf32>
    %broadcast_in_dim3A_75 = vector.shape_cast %reduce_sum3A_74 : vector<128xf32> to vector<1x128xf32>
    %div3A_76 = arith.constant 1.000000e+04 : f32
    %div3A_77 = vector.broadcast %div3A_76 : f32 to vector<1x128xf32>
    %div3A_78 = arith.divf %broadcast_in_dim3A_75, %div3A_77 : vector<1x128xf32>
    %sub3A_79 = vector.broadcast %div3A_69 : vector<1x128xf32> to vector<10000x128xf32>
    %sub3A_80 = arith.subf %add3A_63, %sub3A_79 : vector<10000x128xf32>
    %add3A_81 = arith.constant 9.99999974E-6 : f32
    %add3A_82 = vector.broadcast %add3A_81 : f32 to vector<1x128xf32>
    %add3A_83 = arith.addf %div3A_78, %add3A_82 : vector<1x128xf32>
    %sqrt3A_84 = math.sqrt %add3A_83 : vector<1x128xf32>
    %div3A_85 = vector.broadcast %sqrt3A_84 : vector<1x128xf32> to vector<10000x128xf32>
    %div3A_86 = arith.divf %sub3A_80, %div3A_85 : vector<10000x128xf32>
    %get3A_87 = arith.constant 0 : index
    %get3A_88 = arith.constant 0 : index
    %get3A_89 = vector.load %arg10[%get3A_87, %get3A_88] : memref<1x128xf32, #tpu.memory_space<vmem>>, vector<1x128xf32>
    %mul3A_90 = vector.broadcast %get3A_89 : vector<1x128xf32> to vector<10000x128xf32>
    %mul3A_91 = arith.mulf %div3A_86, %mul3A_90 : vector<10000x128xf32>
    %get3A_92 = arith.constant 0 : index
    %get3A_93 = arith.constant 0 : index
    %get3A_94 = vector.load %arg11[%get3A_92, %get3A_93] : memref<1x128xf32, #tpu.memory_space<vmem>>, vector<1x128xf32>
    %add3A_95 = vector.broadcast %get3A_94 : vector<1x128xf32> to vector<10000x128xf32>
    %add3A_96 = arith.addf %mul3A_91, %add3A_95 : vector<10000x128xf32>
    %ge3A_97 = arith.constant 0.000000e+00 : f32
    %ge3A_98 = vector.broadcast %ge3A_97 : f32 to vector<10000x128xf32>
    %ge3A_99 = arith.cmpf oge, %add3A_96, %ge3A_98 : vector<10000x128xf32>
    %mul3A_100 = arith.constant 0.00999999977 : f32
    %mul3A_101 = vector.broadcast %mul3A_100 : f32 to vector<10000x128xf32>
    %mul3A_102 = arith.mulf %mul3A_101, %add3A_96 : vector<10000x128xf32>
    %select_n3A_103 = arith.select %ge3A_99, %add3A_96, %mul3A_102 : vector<10000x128xi1>, vector<10000x128xf32>
    %ge3A_104 = arith.constant 0.000000e+00 : f32
    %ge3A_105 = vector.broadcast %ge3A_104 : f32 to vector<10000x128xf32>
    %ge3A_106 = arith.cmpf oge, %select_n3A_103, %ge3A_105 : vector<10000x128xf32>
    %mul3A_107 = arith.constant 0.00999999977 : f32
    %mul3A_108 = vector.broadcast %mul3A_107 : f32 to vector<10000x128xf32>
    %mul3A_109 = arith.mulf %mul3A_108, %select_n3A_103 : vector<10000x128xf32>
    %select_n3A_110 = arith.select %ge3A_106, %select_n3A_103, %mul3A_109 : vector<10000x128xi1>, vector<10000x128xf32>
    %swap3A = arith.constant 0 : index
    %swap3A_111 = arith.constant 0 : index
    %swap3A_112 = vector.load %arg12[%swap3A, %swap3A_111] : memref<10000x128xf32, #tpu.memory_space<vmem>>, vector<10000x128xf32>
    tpu.vector_store %arg12[%swap3A, %swap3A_111], %select_n3A_110 {strides = array<i32>} : memref<10000x128xf32, #tpu.memory_space<vmem>>, vector<10000x128xf32>,
    return
  }
}

module attributes {stable_mosaic.version = 14 : i64} {
  func.func @_pool_body(%arg0: memref<10000x128xf32, #tpu.memory_space<vmem>>, %arg1: memref<10000x1xi32, #tpu.memory_space<vmem>>, %arg2: memref<1x10000xi32, #tpu.memory_space<vmem>>, %arg3: memref<10000x128xf32, #tpu.memory_space<vmem>>) attributes {dimension_semantics = [], scalar_prefetch = 0 : i64, scratch_operands = 0 : i64, tpu.core_type = #tpu.core_type<tc>} {
    %get3A = arith.constant 0 : index
    %get3A_0 = arith.constant 0 : index
    %get3A_1 = vector.load %arg2[%get3A, %get3A_0] : memref<1x10000xi32, #tpu.memory_space<vmem>>, vector<1x10000xi32>
    %iota3A = tpu.iota {dimensions = array<i32: 0>} : vector<64x10000xi32>
    %eq3A = vector.broadcast %get3A_1 : vector<1x10000xi32> to vector<64x10000xi32>
    %eq3A_2 = arith.cmpi eq, %eq3A, %iota3A : vector<64x10000xi32>
    %convert_element_type3A = arith.extui %eq3A_2 : vector<64x10000xi1> to vector<64x10000xi32>
    %convert_element_type3A_3 = arith.sitofp %convert_element_type3A : vector<64x10000xi32> to vector<64x10000xf32>
    %get3A_4 = arith.constant 0 : index
    %get3A_5 = arith.constant 0 : index
    %get3A_6 = vector.load %arg0[%get3A_4, %get3A_5] : memref<10000x128xf32, #tpu.memory_space<vmem>>, vector<10000x128xf32>
    %dot_general3A = arith.constant dense<0.000000e+00> : vector<64x128xf32>
    %dot_general3A_7 = tpu.matmul %convert_element_type3A_3, %get3A_6, %dot_general3A {dimension_numbers = #tpu.dot_dimension_numbers<[1], [0], [0], [1], [0, 0, 1, 1], [], []>, precision = #tpu.contract_precision<fp32>, transpose_lhs_hint = false} : vector<64x10000xf32>, vector<10000x128xf32>, vector<64x128xf32> -> vector<64x128xf32>
    %get3A_8 = arith.constant 0 : index
    %get3A_9 = arith.constant 0 : index
    %get3A_10 = vector.load %arg1[%get3A_8, %get3A_9] : memref<10000x1xi32, #tpu.memory_space<vmem>>, vector<10000x1xi32>
    %iota3A_11 = tpu.iota {dimensions = array<i32: 1>} : vector<10000x64xi32>
    %eq3A_12 = vector.broadcast %get3A_10 : vector<10000x1xi32> to vector<10000x64xi32>
    %eq3A_13 = arith.cmpi eq, %eq3A_12, %iota3A_11 : vector<10000x64xi32>
    %convert_element_type3A_14 = arith.extui %eq3A_13 : vector<10000x64xi1> to vector<10000x64xi32>
    %convert_element_type3A_15 = arith.sitofp %convert_element_type3A_14 : vector<10000x64xi32> to vector<10000x64xf32>
    %dot_general3A_16 = arith.constant dense<0.000000e+00> : vector<10000x128xf32>
    %dot_general3A_17 = tpu.matmul %convert_element_type3A_15, %dot_general3A_7, %dot_general3A_16 {dimension_numbers = #tpu.dot_dimension_numbers<[1], [0], [0], [1], [0, 0, 1, 1], [], []>, precision = #tpu.contract_precision<fp32>, transpose_lhs_hint = false} : vector<10000x64xf32>, vector<64x128xf32>, vector<10000x128xf32> -> vector<10000x128xf32>
    %swap3A = arith.constant 0 : index
    %swap3A_18 = arith.constant 0 : index
    %swap3A_19 = vector.load %arg3[%swap3A, %swap3A_18] : memref<10000x128xf32, #tpu.memory_space<vmem>>, vector<10000x128xf32>
    tpu.vector_store %arg3[%swap3A, %swap3A_18], %dot_general3A_17 {strides = array<i32>} : memref<10000x128xf32, #tpu.memory_space<vmem>>, vector<10000x128xf32>,
    return
  }
}

module attributes {stable_mosaic.version = 14 : i64} {
  func.func @_head_body(%arg0: i32, %arg1: memref<1000x128xf32, #tpu.memory_space<vmem>>, %arg2: memref<1000x128xf32, #tpu.memory_space<vmem>>, %arg3: memref<1000x128xf32, #tpu.memory_space<vmem>>, %arg4: memref<1000x128xf32, #tpu.memory_space<vmem>>, %arg5: memref<512x256xf32, #tpu.memory_space<vmem>>, %arg6: memref<1x256xf32, #tpu.memory_space<vmem>>, %arg7: memref<256x256xf32, #tpu.memory_space<vmem>>, %arg8: memref<1x256xf32, #tpu.memory_space<vmem>>, %arg9: memref<256x256xf32, #tpu.memory_space<vmem>>, %arg10: memref<1x256xf32, #tpu.memory_space<vmem>>, %arg11: memref<256x1xf32, #tpu.memory_space<vmem>>, %arg12: memref<1x1xf32, #tpu.memory_space<vmem>>, %arg13: memref<1000x1xf32, #tpu.memory_space<vmem>>) attributes {dimension_semantics = [#tpu.dimension_semantics<arbitrary>], iteration_bounds = array<i64: 10>, scalar_prefetch = 0 : i64, scratch_operands = 0 : i64, tpu.core_type = #tpu.core_type<tc>, window_params = [{transform_indices = @transform_0, window_bounds = array<i64: 1000, 128>}, {transform_indices = @transform_1, window_bounds = array<i64: 1000, 128>}, {transform_indices = @transform_2, window_bounds = array<i64: 1000, 128>}, {transform_indices = @transform_3, window_bounds = array<i64: 1000, 128>}, {pipeline_mode = #tpu.pipeline_mode<synchronous>, transform_indices = @transform_4, window_bounds = array<i64: 512, 256>}, {pipeline_mode = #tpu.pipeline_mode<synchronous>, transform_indices = @transform_5, window_bounds = array<i64: 1, 256>}, {pipeline_mode = #tpu.pipeline_mode<synchronous>, transform_indices = @transform_6, window_bounds = array<i64: 256, 256>}, {pipeline_mode = #tpu.pipeline_mode<synchronous>, transform_indices = @transform_7, window_bounds = array<i64: 1, 256>}, {pipeline_mode = #tpu.pipeline_mode<synchronous>, transform_indices = @transform_8, window_bounds = array<i64: 256, 256>}, {pipeline_mode = #tpu.pipeline_mode<synchronous>, transform_indices = @transform_9, window_bounds = array<i64: 1, 256>}, {pipeline_mode = #tpu.pipeline_mode<synchronous>, transform_indices = @transform_10, window_bounds = array<i64: 256, 1>}, {pipeline_mode = #tpu.pipeline_mode<synchronous>, transform_indices = @transform_11, window_bounds = array<i64: 1, 1>}, {transform_indices = @transform_12, window_bounds = array<i64: 1000, 1>}]} {
    %get3A = arith.constant 0 : index
    %get3A_0 = arith.constant 0 : index
    %get3A_1 = vector.load %arg1[%get3A, %get3A_0] : memref<1000x128xf32, #tpu.memory_space<vmem>>, vector<1000x128xf32>
    %get3A_2 = arith.constant 0 : index
    %get3A_3 = arith.constant 0 : index
    %get3A_4 = vector.load %arg5[%get3A_2, %get3A_3] : memref<512x256xf32, #tpu.memory_space<vmem>>, vector<128x256xf32>
    %dot_general3A = arith.constant dense<0.000000e+00> : vector<1000x256xf32>
    %dot_general3A_5 = tpu.matmul %get3A_1, %get3A_4, %dot_general3A {dimension_numbers = #tpu.dot_dimension_numbers<[1], [0], [0], [1], [0, 0, 1, 1], [], []>, precision = #tpu.contract_precision<fp32>, transpose_lhs_hint = false} : vector<1000x128xf32>, vector<128x256xf32>, vector<1000x256xf32> -> vector<1000x256xf32>
    %get3A_6 = arith.constant 0 : index
    %get3A_7 = arith.constant 0 : index
    %get3A_8 = vector.load %arg2[%get3A_6, %get3A_7] : memref<1000x128xf32, #tpu.memory_space<vmem>>, vector<1000x128xf32>
    %get3A_9 = arith.constant 128 : index
    %get3A_10 = arith.constant 0 : index
    %get3A_11 = vector.load %arg5[%get3A_9, %get3A_10] : memref<512x256xf32, #tpu.memory_space<vmem>>, vector<128x256xf32>
    %dot_general3A_12 = arith.constant dense<0.000000e+00> : vector<1000x256xf32>
    %dot_general3A_13 = tpu.matmul %get3A_8, %get3A_11, %dot_general3A_12 {dimension_numbers = #tpu.dot_dimension_numbers<[1], [0], [0], [1], [0, 0, 1, 1], [], []>, precision = #tpu.contract_precision<fp32>, transpose_lhs_hint = false} : vector<1000x128xf32>, vector<128x256xf32>, vector<1000x256xf32> -> vector<1000x256xf32>
    %add3A = arith.addf %dot_general3A_5, %dot_general3A_13 : vector<1000x256xf32>
    %get3A_14 = arith.constant 0 : index
    %get3A_15 = arith.constant 0 : index
    %get3A_16 = vector.load %arg3[%get3A_14, %get3A_15] : memref<1000x128xf32, #tpu.memory_space<vmem>>, vector<1000x128xf32>
    %get3A_17 = arith.constant 256 : index
    %get3A_18 = arith.constant 0 : index
    %get3A_19 = vector.load %arg5[%get3A_17, %get3A_18] : memref<512x256xf32, #tpu.memory_space<vmem>>, vector<128x256xf32>
    %dot_general3A_20 = arith.constant dense<0.000000e+00> : vector<1000x256xf32>
    %dot_general3A_21 = tpu.matmul %get3A_16, %get3A_19, %dot_general3A_20 {dimension_numbers = #tpu.dot_dimension_numbers<[1], [0], [0], [1], [0, 0, 1, 1], [], []>, precision = #tpu.contract_precision<fp32>, transpose_lhs_hint = false} : vector<1000x128xf32>, vector<128x256xf32>, vector<1000x256xf32> -> vector<1000x256xf32>
    %add3A_22 = arith.addf %add3A, %dot_general3A_21 : vector<1000x256xf32>
    %get3A_23 = arith.constant 0 : index
    %get3A_24 = arith.constant 0 : index
    %get3A_25 = vector.load %arg4[%get3A_23, %get3A_24] : memref<1000x128xf32, #tpu.memory_space<vmem>>, vector<1000x128xf32>
    %get3A_26 = arith.constant 384 : index
    %get3A_27 = arith.constant 0 : index
    %get3A_28 = vector.load %arg5[%get3A_26, %get3A_27] : memref<512x256xf32, #tpu.memory_space<vmem>>, vector<128x256xf32>
    %dot_general3A_29 = arith.constant dense<0.000000e+00> : vector<1000x256xf32>
    %dot_general3A_30 = tpu.matmul %get3A_25, %get3A_28, %dot_general3A_29 {dimension_numbers = #tpu.dot_dimension_numbers<[1], [0], [0], [1], [0, 0, 1, 1], [], []>, precision = #tpu.contract_precision<fp32>, transpose_lhs_hint = false} : vector<1000x128xf32>, vector<128x256xf32>, vector<1000x256xf32> -> vector<1000x256xf32>
    %add3A_31 = arith.addf %add3A_22, %dot_general3A_30 : vector<1000x256xf32>
    %get3A_32 = arith.constant 0 : index
    %get3A_33 = arith.constant 0 : index
    %get3A_34 = vector.load %arg6[%get3A_32, %get3A_33] : memref<1x256xf32, #tpu.memory_space<vmem>>, vector<1x256xf32>
    %add3A_35 = vector.broadcast %get3A_34 : vector<1x256xf32> to vector<1000x256xf32>
    %add3A_36 = arith.addf %add3A_31, %add3A_35 : vector<1000x256xf32>
    %get3A_37 = arith.constant 0 : index
    %get3A_38 = arith.constant 0 : index
    %get3A_39 = vector.load %arg7[%get3A_37, %get3A_38] : memref<256x256xf32, #tpu.memory_space<vmem>>, vector<256x256xf32>
    %dot_general3A_40 = arith.constant dense<0.000000e+00> : vector<1000x256xf32>
    %dot_general3A_41 = tpu.matmul %add3A_36, %get3A_39, %dot_general3A_40 {dimension_numbers = #tpu.dot_dimension_numbers<[1], [0], [0], [1], [0, 0, 1, 1], [], []>, precision = #tpu.contract_precision<fp32>, transpose_lhs_hint = false} : vector<1000x256xf32>, vector<256x256xf32>, vector<1000x256xf32> -> vector<1000x256xf32>
    %get3A_42 = arith.constant 0 : index
    %get3A_43 = arith.constant 0 : index
    %get3A_44 = vector.load %arg8[%get3A_42, %get3A_43] : memref<1x256xf32, #tpu.memory_space<vmem>>, vector<1x256xf32>
    %add3A_45 = vector.broadcast %get3A_44 : vector<1x256xf32> to vector<1000x256xf32>
    %add3A_46 = arith.addf %dot_general3A_41, %add3A_45 : vector<1000x256xf32>
    %ge3A = arith.constant 0.000000e+00 : f32
    %ge3A_47 = vector.broadcast %ge3A : f32 to vector<1000x256xf32>
    %ge3A_48 = arith.cmpf oge, %add3A_46, %ge3A_47 : vector<1000x256xf32>
    %mul3A = arith.constant 0.00999999977 : f32
    %mul3A_49 = vector.broadcast %mul3A : f32 to vector<1000x256xf32>
    %mul3A_50 = arith.mulf %mul3A_49, %add3A_46 : vector<1000x256xf32>
    %select_n3A = arith.select %ge3A_48, %add3A_46, %mul3A_50 : vector<1000x256xi1>, vector<1000x256xf32>
    %get3A_51 = arith.constant 0 : index
    %get3A_52 = arith.constant 0 : index
    %get3A_53 = vector.load %arg9[%get3A_51, %get3A_52] : memref<256x256xf32, #tpu.memory_space<vmem>>, vector<256x256xf32>
    %dot_general3A_54 = arith.constant dense<0.000000e+00> : vector<1000x256xf32>
    %dot_general3A_55 = tpu.matmul %select_n3A, %get3A_53, %dot_general3A_54 {dimension_numbers = #tpu.dot_dimension_numbers<[1], [0], [0], [1], [0, 0, 1, 1], [], []>, precision = #tpu.contract_precision<fp32>, transpose_lhs_hint = false} : vector<1000x256xf32>, vector<256x256xf32>, vector<1000x256xf32> -> vector<1000x256xf32>
    %get3A_56 = arith.constant 0 : index
    %get3A_57 = arith.constant 0 : index
    %get3A_58 = vector.load %arg10[%get3A_56, %get3A_57] : memref<1x256xf32, #tpu.memory_space<vmem>>, vector<1x256xf32>
    %add3A_59 = vector.broadcast %get3A_58 : vector<1x256xf32> to vector<1000x256xf32>
    %add3A_60 = arith.addf %dot_general3A_55, %add3A_59 : vector<1000x256xf32>
    %ge3A_61 = arith.constant 0.000000e+00 : f32
    %ge3A_62 = vector.broadcast %ge3A_61 : f32 to vector<1000x256xf32>
    %ge3A_63 = arith.cmpf oge, %add3A_60, %ge3A_62 : vector<1000x256xf32>
    %mul3A_64 = arith.constant 0.00999999977 : f32
    %mul3A_65 = vector.broadcast %mul3A_64 : f32 to vector<1000x256xf32>
    %mul3A_66 = arith.mulf %mul3A_65, %add3A_60 : vector<1000x256xf32>
    %select_n3A_67 = arith.select %ge3A_63, %add3A_60, %mul3A_66 : vector<1000x256xi1>, vector<1000x256xf32>
    %get3A_68 = arith.constant 0 : index
    %get3A_69 = arith.constant 0 : index
    %get3A_70 = vector.load %arg11[%get3A_68, %get3A_69] : memref<256x1xf32, #tpu.memory_space<vmem>>, vector<256x1xf32>
    %dot_general3A_71 = arith.constant dense<0.000000e+00> : vector<1000x1xf32>
    %dot_general3A_72 = tpu.matmul %select_n3A_67, %get3A_70, %dot_general3A_71 {dimension_numbers = #tpu.dot_dimension_numbers<[1], [0], [0], [1], [0, 0, 1, 1], [], []>, precision = #tpu.contract_precision<fp32>, transpose_lhs_hint = false} : vector<1000x256xf32>, vector<256x1xf32>, vector<1000x1xf32> -> vector<1000x1xf32>
    %get3A_73 = arith.constant 0 : index
    %get3A_74 = arith.constant 0 : index
    %get3A_75 = vector.load %arg12[%get3A_73, %get3A_74] : memref<1x1xf32, #tpu.memory_space<vmem>>, vector<1x1xf32>
    %add3A_76 = vector.broadcast %get3A_75 : vector<1x1xf32> to vector<1000x1xf32>
    %add3A_77 = arith.addf %dot_general3A_72, %add3A_76 : vector<1000x1xf32>
    %logistic3A = arith.negf %add3A_77 : vector<1000x1xf32>
    %logistic3A_78 = math.exp %logistic3A : vector<1000x1xf32>
    %logistic3A_79 = arith.constant 1.000000e+00 : f32
    %logistic3A_80 = vector.broadcast %logistic3A_79 : f32 to vector<1000x1xf32>
    %logistic3A_81 = arith.addf %logistic3A_80, %logistic3A_78 : vector<1000x1xf32>
    %logistic3A_82 = arith.divf %logistic3A_80, %logistic3A_81 : vector<1000x1xf32>
    %swap3A = arith.constant 0 : index
    %swap3A_83 = arith.constant 0 : index
    %swap3A_84 = vector.load %arg13[%swap3A, %swap3A_83] : memref<1000x1xf32, #tpu.memory_space<vmem>>, vector<1000x1xf32>
    tpu.vector_store %arg13[%swap3A, %swap3A_83], %logistic3A_82 {strides = array<i32>} : memref<1000x1xf32, #tpu.memory_space<vmem>>, vector<1000x1xf32>,
    return
  }
  func.func @transform_0(%arg0: i32) -> (i32, i32) {
    %c0_i32 = arith.constant 0 : i32
    %c0_i32_0 = arith.constant 0 : i32
    return %arg0, %c0_i32 : i32, i32
  }
  func.func @transform_1(%arg0: i32) -> (i32, i32) {
    %c0_i32 = arith.constant 0 : i32
    %c0_i32_0 = arith.constant 0 : i32
    return %arg0, %c0_i32 : i32, i32
  }
  func.func @transform_2(%arg0: i32) -> (i32, i32) {
    %c0_i32 = arith.constant 0 : i32
    %c0_i32_0 = arith.constant 0 : i32
    return %arg0, %c0_i32 : i32, i32
  }
  func.func @transform_3(%arg0: i32) -> (i32, i32) {
    %c0_i32 = arith.constant 0 : i32
    %c0_i32_0 = arith.constant 0 : i32
    return %arg0, %c0_i32 : i32, i32
  }
  func.func @transform_4(%arg0: i32) -> (i32, i32) {
    %c0_i32 = arith.constant 0 : i32
    %c0_i32_0 = arith.constant 0 : i32
    %c0_i32_1 = arith.constant 0 : i32
    return %c0_i32, %c0_i32_0 : i32, i32
  }
  func.func @transform_5(%arg0: i32) -> (i32, i32) {
    %c0_i32 = arith.constant 0 : i32
    %c0_i32_0 = arith.constant 0 : i32
    %c0_i32_1 = arith.constant 0 : i32
    return %c0_i32, %c0_i32_0 : i32, i32
  }
  func.func @transform_6(%arg0: i32) -> (i32, i32) {
    %c0_i32 = arith.constant 0 : i32
    %c0_i32_0 = arith.constant 0 : i32
    %c0_i32_1 = arith.constant 0 : i32
    return %c0_i32, %c0_i32_0 : i32, i32
  }
  func.func @transform_7(%arg0: i32) -> (i32, i32) {
    %c0_i32 = arith.constant 0 : i32
    %c0_i32_0 = arith.constant 0 : i32
    %c0_i32_1 = arith.constant 0 : i32
    return %c0_i32, %c0_i32_0 : i32, i32
  }
  func.func @transform_8(%arg0: i32) -> (i32, i32) {
    %c0_i32 = arith.constant 0 : i32
    %c0_i32_0 = arith.constant 0 : i32
    %c0_i32_1 = arith.constant 0 : i32
    return %c0_i32, %c0_i32_0 : i32, i32
  }
  func.func @transform_9(%arg0: i32) -> (i32, i32) {
    %c0_i32 = arith.constant 0 : i32
    %c0_i32_0 = arith.constant 0 : i32
    %c0_i32_1 = arith.constant 0 : i32
    return %c0_i32, %c0_i32_0 : i32, i32
  }
  func.func @transform_10(%arg0: i32) -> (i32, i32) {
    %c0_i32 = arith.constant 0 : i32
    %c0_i32_0 = arith.constant 0 : i32
    %c0_i32_1 = arith.constant 0 : i32
    return %c0_i32, %c0_i32_0 : i32, i32
  }
  func.func @transform_11(%arg0: i32) -> (i32, i32) {
    %c0_i32 = arith.constant 0 : i32
    %c0_i32_0 = arith.constant 0 : i32
    %c0_i32_1 = arith.constant 0 : i32
    return %c0_i32, %c0_i32_0 : i32, i32
  }
  func.func @transform_12(%arg0: i32) -> (i32, i32) {
    %c0_i32 = arith.constant 0 : i32
    %c0_i32_0 = arith.constant 0 : i32
    return %arg0, %c0_i32 : i32, i32
  }
}

</mosaic_0001>

<sc_bundles>
// kernel: kernel.12.cloned.1.call-start
scs
__scs_entry_jumppad:
0x0: {  	(pc) =	sbr.rel $0x88, $3  }
0x1: {  	(tag) =	ssettag $0x0;
	lr =	simm.s32 $0x1  }
0x2: {  	[smem:$0x3F72] =	sst lr;
	_ =	strace $0xD0000000  }
0x3: {  	_ = 	snop  }
0x4: {  	_ = 	snop  }
0x5: {  	_ = 	snop  }
0x6: {  	_ = 	snop  }
0x7: {  	_ = 	snop  }
__scs_overlays_trampoline_lowered:
0x8: {  	[smem:$0x3F81] =	sst s0  }
0x9: {  	[smem:$0x3F82] =	sst s1  }
0xa: {  	[smem:$0x3F83] =	sst s2  }
0xb: {  	[smem:$0x3F84] =	sst s3  }
0xc: {  	[smem:$0x3F85] =	sst s4  }
0xd: {  	[smem:$0x3F86] =	sst s5  }
0xe: {  	[smem:$0x3F87] =	sst s6  }
0xf: {  	[smem:$0x3F88] =	sst s7  }
0x10: {  	[smem:$0x3F89] =	sst s8  }
0x11: {  	[smem:$0x3F8A] =	sst s9;
	s0 =	simm.s32 @!p0 $0x0  }
0x12: {  	s1 =	sld [smem:$0x3F70];
	s0 =	simm.s32 @p0 $0x1  }
0x13: {  	[smem:$0x3F8B] =	sst s0;
	s0 =	simm.s32 @!p1 $0x0  }
0x14: {  	s2 =	sld [smem:$0x3F6F];
	s0 =	simm.s32 @p1 $0x1  }
0x15: {  	[smem:$0x3F8C] =	sst s0;
	s0 =	simm.s32 @!p2 $0x0  }
0x16: {  	s3 =	sld [smem:$0x3FDB];
	s0 =	simm.s32 @p2 $0x1  }
0x17: {  	s4 =	simm.s32 $0x1BF5;
	[smem:$0x3F8E] =	sst s0  }
0x18: {  	s0 =	sld [smem:$0x3F71];
	_ =	swait.ge [sflag:s4], $0x0  }
0x19: {  	s7 =	sld [smem:$0x3F72]  }
0x1a: {  	s8 =	sadd.s32 $0xFFFFE003, lr  }
0x1b: {  	s9 =	sadd.s32 $0xFFFFFEF7, lr;
	s5 =	simm.s32 $0xFFFFFFFF;
	p2 =	slt.u32 s8, $0xFFFFF086  }
0x1c: {  	p1 =	slt.u32 s9, $0xF7A;
	s5 =	simm.s32 @!p2 $0x0  }
0x1d: {  	s5 =	simm.s32 @p1 $0x1;
	p0 =	seq.s32 s7, s2  }
0x1e: {  	s7 =	smul.u32 @!p0 $0xF7A, s2;
	p2 =	seq.s32 @!p0 s5, $0x0  }
0x1f: {  	s9 =	smul.u32 $0xF7A, s1;
	s8 =	simm.s32 @!p0 $0x1BF5;
	p2 =	por !p2, p0  }
0x20: {  	[sflag:s8] =	ssyncset.s32 @!p0 $0xFFFFF086;
	s6 =	sadd.s32 @!p0 s3, s7;
	s7 =	simm.s32 @!p0 $0x108  }
0x21: {  	s3 =	sadd.s32 s3, s9;
	s6 =	sadd.s32 @!p0 $0x88, s6;
	s7 =	simm.s32 @p2 $0x1082  }
0x22: {  	[simem:s7], [sflag:s8] =	dma.local @!p0 [hbm:s6], $0xF7A  }
0x23: {  	s9 =	sor.u32 $0xD0000000, s2;
	s6 =	simm.s32 $0x108;
	_ =	swait.ge @!p0 [sflag:s8], $0x0  }
0x24: {  	s3 =	sadd.s32 $0x88, s3;
	s6 =	simm.s32 @!p1 $0x1082;
	[sflag:s4] =	ssyncset.s32 $0xFFFFF086  }
0x25: {  	[simem:s6], [sflag:s4] =	dma.local [hbm:s3], $0xF7A  }
0x26: {  	[smem:$0x3F72] =	sst s1;
	(tag) =	ssettag s2;
	_ =	strace s9  }
0x27: {  	s1 =	sld [smem:$0x3F82]  }
0x28: {  	s2 =	sld [smem:$0x3F83]  }
0x29: {  	s4 =	sld [smem:$0x3F85]  }
0x2a: {  	p0 =	seq.s32 s5, $0x0;
	s5 =	sld [smem:$0x3F86]  }
0x2b: {  	s6 =	sld [smem:$0x3F87]  }
0x2c: {  	s7 =	sld [smem:$0x3F88]  }
0x2d: {  	s3 =	simm.s32 $0x108;
	s8 =	sld [smem:$0x3F89]  }
0x2e: {  	s3 =	simm.s32 @!p0 $0x1082;
	s9 =	sld [smem:$0x3F8A]  }
0x2f: {  	lr =	sadd.s32 s0, s3;
	s0 =	sld [smem:$0x3F81]  }
0x30: {  	s3 =	sld [smem:$0x3F84]  }
0x31: {  	[smem:$0x3F8D] =	sst s10  }
0x32: {  	s10 =	sld [smem:$0x3F8B];
	_ =	sdelay $0x3  }
0x33: {  	p0 =	seq.s32 s10, $0x1;
	s10 =	sld [smem:$0x3F8D];
	_ =	sdelay $0x3  }
0x34: {  	[smem:$0x3F8D] =	sst s10  }
0x35: {  	s10 =	sld [smem:$0x3F8C];
	_ =	sdelay $0x3  }
0x36: {  	p1 =	seq.s32 s10, $0x1;
	s10 =	sld [smem:$0x3F8D];
	_ =	sdelay $0x3  }
0x37: {  	[smem:$0x3F8D] =	sst s10  }
0x38: {  	s10 =	sld [smem:$0x3F8E]  }
0x39: {  	_ = 	snop;
	(pc) =	sbr.ind lr, $3  }
0x3a: {  	_ = 	snop  }
0x3b: {  	_ = 	snop  }
0x3c: {  	p2 =	seq.s32 s10, $0x1;
	s10 =	sld [smem:$0x3F8D]  }
0x3d: {  	_ =	shalt  }
0x3e: {  	_ =	shalt  }
0x3f: {  	_ =	shalt  }
0x40: {  	_ =	shalt  }
0x41: {  	_ =	shalt  }
0x42: {  	_ =	shalt  }
0x43: {  	_ =	shalt  }
0x44: {  	_ =	shalt  }
0x45: {  	_ =	shalt  }
0x46: {  	_ =	shalt  }
0x47: {  	_ =	shalt  }
0x48: {  	_ =	shalt  }
0x49: {  	_ =	shalt  }
0x4a: {  	_ =	shalt  }
0x4b: {  	_ =	shalt  }
0x4c: {  	_ =	shalt  }
0x4d: {  	_ =	shalt  }
0x4e: {  	_ =	shalt  }
0x4f: {  	_ =	shalt  }
0x50: {  	_ =	shalt  }
0x51: {  	_ =	shalt  }
0x52: {  	_ =	shalt  }
0x53: {  	_ =	shalt  }
0x54: {  	_ =	shalt  }
0x55: {  	_ =	shalt  }
0x56: {  	_ =	shalt  }
0x57: {  	_ =	shalt  }
0x58: {  	_ =	shalt  }
0x59: {  	_ =	shalt  }
0x5a: {  	_ =	shalt  }
0x5b: {  	_ =	shalt  }
0x5c: {  	_ =	shalt  }
0x5d: {  	_ =	shalt  }
0x5e: {  	_ =	shalt  }
0x5f: {  	_ =	shalt  }
0x60: {  	_ =	shalt  }
0x61: {  	_ =	shalt  }
0x62: {  	_ =	shalt  }
0x63: {  	_ =	shalt  }
0x64: {  	_ =	shalt  }
0x65: {  	_ =	shalt  }
0x66: {  	_ =	shalt  }
0x67: {  	_ =	shalt  }
0x68: {  	_ =	shalt  }
0x69: {  	_ =	shalt  }
0x6a: {  	_ =	shalt  }
0x6b: {  	_ =	shalt  }
0x6c: {  	_ =	shalt  }
0x6d: {  	_ =	shalt  }
0x6e: {  	_ =	shalt  }
0x6f: {  	_ =	shalt  }
0x70: {  	_ =	shalt  }
0x71: {  	_ =	shalt  }
0x72: {  	_ =	shalt  }
0x73: {  	_ =	shalt  }
0x74: {  	_ =	shalt  }
0x75: {  	_ =	shalt  }
0x76: {  	_ =	shalt  }
0x77: {  	_ =	shalt  }
0x78: {  	_ =	shalt  }
0x79: {  	_ =	shalt  }
0x7a: {  	_ =	shalt  }
0x7b: {  	_ =	shalt  }
0x7c: {  	_ =	shalt  }
0x7d: {  	_ =	shalt  }
0x7e: {  	_ =	shalt  }
0x7f: {  	_ =	shalt  }
0x80: {  	_ =	shalt  }
0x81: {  	_ =	shalt  }
0x82: {  	_ =	shalt  }
0x83: {  	_ =	shalt  }
0x84: {  	_ =	shalt  }
0x85: {  	_ =	shalt  }
0x86: {  	_ =	shalt  }
0x87: {  	_ =	shalt  }
.Lfunc_end0:
.L_simem_size_0:
called_computation_lowered:
.L_overlay_start_0:
0x88: {  	s2 =	sld [smem:$0x3FD9]  }
0x89: {  	s3 =	sld [smem:$0x3FFE];
	_ =	sdelay $0x1  }
0x8a: {  	s1 =	srdreg.scid  }
0x8b: {  	s0 =	sand.u32 $0x1, s1  }
0x8c: {  	s17 =	sshll.u32 s0, $0xA;
	s2 =	sadd.s32 s3, s2  }
0x8d: {  	s2 =	sadd.s32 s2, s17  }
0x8e: {  	[smem:$0x3F99] =	sst s2  }
0x8f: {  	_ = 	snop  }
0x90: {  	s2 =	sld [smem:$0x3FC9];
	(tm) =	ssettm $0x1  }
0x91: {  	s18 =	sld [smem:$0x3FFB];
	_ =	sdelay $0x3  }
0x92: {  	_ =	strace s18  }
0x93: {  	s3 =	sld [smem:$0x3FFC];
	_ =	sdelay $0x3  }
0x94: {  	_ =	strace s3  }
0x95: {  	s3 =	sld [smem:$0x3FFD];
	_ =	sdelay $0x3  }
0x96: {  	_ =	strace s3  }
0x97: {  	_ =	strace $0x8FFFFFFF  }
0x98: {  	s19 =	sld [smem:$0x3FDB];
	_ =	sdelay $0x1  }
0x99: {  	s4 =	simm.s32 $_scs_section_size  }
0x9a: {  	s5 =	simm.s32 $_size__tile_overlayer_lowered;
	s6 =	simm.s32 $_tile_overlayer_lowered  }
0x9b: {  	s22 =	simm.s32 $0x1BFF;
	s21 =	sshll.u32 s6, $0x1;
	s3 =	sadd.s32 s4, s19  }
0x9c: {  	s7 =	simm.s32 $0x0;
	s20 =	sshll.u32 s5, $0x1;
	s5 =	sadd.s32 s21, s3  }
0x9d: {  	[timem:s7], [sflag:s22] =	dma.local [hbm:s5], s20  }
0x9e: {  	_ =	swait.ge [sflag:s22], s20  }
0x9f: {  	s4 =	ssub.s32 $0x0, s20;
	[sflag:s22] =	ssyncset.done $0x0  }
0xa0: {  	[sflag:s22] =	ssyncadd.s32 s4;
	_ =	sdelay $0x1  }
0xa1: {  	s23 =	simm.s32 $0x1B8B  }
0xa2: {  	_ =	swait.ge [sflag:s23], $0x1  }
0xa3: {  	[sflag:s23] =	ssyncset.done $0x0  }
0xa4: {  	s25 =	simm.s32 $0x1B8E;
	s24 =	sld [smem:$0x3FFE];
	[sflag:s23] =	ssyncadd.s32 $0xFFFFFFFF  }
0xa5: {  	s26 =	simm.s32 $execute0_lowered;
	[smem:$0x3FD2] =	sst s25  }
0xa6: {  	s5 =	sshll.u32 s26, $0x1;
	_ =	strace $0x80000046;
	[dreg:$0x1] =	wrdreg $0xFFFFFFFF  }
0xa7: {  	s28 =	simm.s32 $_size_execute0_lowered;
	s3 =	sadd.s32 s3, s5;
	[dreg:$0x0] =	wrdreg $0x0  }
0xa8: {  	s5 =	sshll.u32 s28, $0x1;
	[dreg:$0x2] =	wrdreg s3  }
0xa9: {  	[dreg:$0x3] =	wrdreg s5  }
0xaa: {  	[dreg:$0x4] =	wrdreg $0xC0  }
0xab: {  	_ =	task [dreg:s7], $0x5FFFF  }
0xac: {  	[dreg:$0x1] =	wrdreg $0xFFFFFFFF  }
0xad: {  	[dreg:$0x0] =	wrdreg $0x60  }
0xae: {  	[dreg:$0x2] =	wrdreg s2  }
0xaf: {  	[dreg:$0x3] =	wrdreg s24  }
0xb0: {  	[dreg:$0x4] =	wrdreg $0x90000  }
0xb1: {  	[dreg:$0x5] =	wrdreg $0x9  }
0xb2: {  	_ =	task.clear_ibuf [dreg:s7], $0x6FFFF;
	_ =	strace $0x90000046  }
0xb3: {  	s29 =	simm.s32 $0x9;
	_ =	strace $0x80000048  }
0xb4: {  	_ =	swait.ge [sflag:s29], $0x1  }
0xb5: {  	[sflag:s29] =	ssyncadd.s32 $0xFFFFFFFF  }
0xb6: {  	_ =	strace $0x90000048  }
0xb7: {  	_ =	sfence  }
0xb8: {  	s30 =	sld [smem:$0x0];
	_ =	sdelay $0x2  }
0xb9: {  	s31 =	sshll.u32 s1, $0xD;
	s1 =	sshrl.u32 s1, $0x2  }
0xba: {  	s3 =	sand.u32 $0x4000, s31;
	s1 =	sadd.s32 s1, s30  }
0xbb: {  	s0 =	sor.u32 s3, s0;
	s1 =	sshll.u32 s1, $0x11  }
0xbc: {  	s0 =	sor.u32 s1, s0  }
0xbd: {  	s0 =	sadd.s32 $0x8F2B, s0  }
0xbe: {  	[sflag:s0] =	ssyncadd.remote.s32 $0x1  }
0xbf: {  	_ =	sfence.sel $0xFFFF  }
0xc0: {  	[dreg:$0x0] =	wrdreg $0xFFFFFFFF;
	(pc) =	sbr.abs _section_cstart, $3  }
0xc1: {  	[dreg:$0x1] =	wrdreg $0xFFFFFFFF  }
0xc2: {  	_ =	task.clear_ibuf [dreg:s7], $0x2FFFF;
	_ =	strace $0x9FFFFFFF  }
0xc3: {  	(tm) =	ssettm $0x7FFFFFFF  }
tec
execute0_lowered:
.L_overlay_start_1:
0x0: {  	(tag) =	ssettag $0x1  }
0x1: {  	s0 =	rddreg [dreg:$0x0]  }
0x2: {  	s5 =	rddreg [dreg:$0x1]  }
0x3: {  	s1 =	srdreg.scid;
	s3 =	rddreg [dreg:$0x2]  }
0x4: {  	s2 =	stileid.u32;
	s4 =	simm.s32 $0x0;
	s17 =	simm.s32 $0x5000  }
0x5: {  	s18 =	simm.s32 $0x1;
	s19 =	simm.s32 $0x2800;
	s20 =	simm.s32 $0x7D  }
0x6: {  	s6 =	sand.u32 $0x1, s1;
	s1 =	rddreg [dreg:$0x3];
	s11 =	smul.u32 $0x13800, s2  }
0x7: {  	[smem:$0x7FF] =	sst s4;
	s10 =	sadd.s32 $0x1C800, s5;
	s31 =	smul.u32 $0x4E000, s2  }
0x8: {  	p0 =	sne.s32 s2, $0xF;
	s7 =	sshll.u32 s6, $0x4;
	_ =	strace $0x80000047  }
0x9: {  	s8 =	ssub.s32 $0x2, s6;
	s9 =	smul.u32 $0x138800, s6;
	s7 =	sor.u32 s2, s7  }
0xa: {  	s30 =	sshrl.u32 s8, $0x1;
	s13 =	sshrl.u32 s31, $0x2;
	s7 =	smul.u32 $0x500, s7  }
0xb: {  	s11 =	sadd.s32 s11, s9;
	s14 =	sshrl.u32 s9, $0x3;
	s9 =	sadd.s32 s13, s3  }
0xc: {  	s12 =	ssub.s32 s8, s30;
	s11 =	sshrl.u32 s11, $0x3;
	s13 =	sadd.s32 $0x6800, s9  }
0xd: {  	s15 =	sadd.s32 $0xD000, s9;
	s16 =	sadd.s32 $0x10400, s9;
	s7 =	sadd.s32 s7, s5  }
0xe: {  	s5 =	sadd.s32 $0x138000, s3;
	s8 =	sadd.s32 s10, s11;
	s10 =	sadd.s32 s10, s14  }
0xf: {  	s11 =	smax.u32 s12, $0x1;
	s12 =	sadd.s32 $0x3400, s9;
	s14 =	sadd.s32 $0x9C00, s9  }
0x10: {  	v0 =	vimm.f32 $0.0e+00;
	s6 =	sadd.s32 $0x8800, s7;
	s7 =	sadd.s32 $0x12800, s7;
	s10 =	sadd.s32 $0x27000, s10  }
.LBB2_1:
0x11: {  	s21 =	simm.s32 $0x70;
	s22 =	simm.s32 $0x3C0  }
.LBB2_2:
0x12: {  	p1 =	sne.s32 s22, $0xCFC0;
	[tilespmem:s21+$0x5000] =	vst v0  }
0x13: {  	[tilespmem:s21+$0x4F90] =	vst v0  }
0x14: {  	[tilespmem:s21+$0x4FA0] =	vst v0  }
.Ltmp0:
0x15: {  	[tilespmem:s21+$0x4FB0] =	vst v0;
	(pc) =	sbr.rel @p1 .LBB2_2-.Ltmp0, $4  }
0x16: {  	[tilespmem:s21+$0x4FC0] =	vst v0  }
0x17: {  	[tilespmem:s21+$0x4FD0] =	vst v0  }
0x18: {  	[tilespmem:s21+$0x4FE0] =	vst v0  }
0x19: {  	[tilespmem:s21+$0x4FF0] =	vst v0;
	s21 =	sshra.s32 s22, $0x2;
	s22 =	sadd.s32 $0x200, s22  }
0x1a: {  	[tilespmem:s21+$0x5000] =	vst v0  }
0x1b: {  	[tilespmem:s21+$0x4F90] =	vst v0  }
0x1c: {  	[tilespmem:s21+$0x4FA0] =	vst v0  }
0x1d: {  	[tilespmem:s21+$0x4FB0] =	vst v0  }
0x1e: {  	[tilespmem:s21+$0x4FC0] =	vst v0  }
0x1f: {  	[tilespmem:s21+$0x4FD0] =	vst v0  }
0x20: {  	[tilespmem:s21+$0x4FE0] =	vst v0  }
0x21: {  	[tilespmem:s21+$0x4FF0] =	vst v0  }
0x22: {  	[spmem:s9] =	stream.linear.scatter [tilespmem:s17], [sflag:$0x1], $0x3400, $0x38;
	[tilespmem:$0x1C880] =	vst v63  }
0x23: {  	_ =	swait.ge [sflag:s18], $0x3400  }
0x24: {  	[sflag:s18] =	ssyncset.done $0x0  }
0x25: {  	[sflag:s18] =	ssyncadd.s32 $0xFFFFCC00  }
0x26: {  	[spmem:s12] =	stream.linear.scatter [tilespmem:s17], [sflag:$0x1], $0x3400, $0x38;
	[tilespmem:$0x1C880] =	vst v63  }
0x27: {  	_ =	swait.ge [sflag:s18], $0x3400  }
0x28: {  	[sflag:s18] =	ssyncset.done $0x0  }
0x29: {  	[sflag:s18] =	ssyncadd.s32 $0xFFFFCC00  }
0x2a: {  	[spmem:s13] =	stream.linear.scatter [tilespmem:s17], [sflag:$0x1], $0x3400, $0x38;
	[tilespmem:$0x1C880] =	vst v63  }
0x2b: {  	_ =	swait.ge [sflag:s18], $0x3400  }
0x2c: {  	[sflag:s18] =	ssyncset.done $0x0  }
0x2d: {  	[sflag:s18] =	ssyncadd.s32 $0xFFFFCC00  }
0x2e: {  	[spmem:s14] =	stream.linear.scatter [tilespmem:s17], [sflag:$0x1], $0x3400, $0x38;
	[tilespmem:$0x1C880] =	vst v63  }
0x2f: {  	_ =	swait.ge [sflag:s18], $0x3400  }
0x30: {  	[sflag:s18] =	ssyncset.done $0x0  }
0x31: {  	[sflag:s18] =	ssyncadd.s32 $0xFFFFCC00  }
0x32: {  	[spmem:s15] =	stream.linear.scatter [tilespmem:s17], [sflag:$0x1], $0x3400, $0x38;
	[tilespmem:$0x1C880] =	vst v63  }
0x33: {  	_ =	swait.ge [sflag:s18], $0x3400  }
0x34: {  	[sflag:s18] =	ssyncset.done $0x0  }
0x35: {  	[sflag:s18] =	ssyncadd.s32 $0xFFFFCC00  }
0x36: {  	[spmem:s16] =	stream.linear.scatter [tilespmem:s17], [sflag:$0x1], $0x3400, $0x38;
	[tilespmem:$0x1C880] =	vst v63  }
0x37: {  	_ =	swait.ge [sflag:s18], $0x3400  }
0x38: {  	[sflag:s18] =	ssyncset.done $0x0  }
0x39: {  	s21 =	simm.s32 @!p0 $0x5000;
	[sflag:s18] =	ssyncadd.s32 $0xFFFFCC00  }
0x3a: {  	[spmem:s5] =	stream.linear.scatter @!p0 [tilespmem:s21], [sflag:$0x1], $0x800, $0x38;
	[tilespmem:$0x1C880] =	vst v63  }
0x3b: {  	s21 =	simm.s32 @!p0 $0x1  }
0x3c: {  	_ =	swait.ge @!p0 [sflag:s21], $0x800  }
0x3d: {  	[sflag:s21] =	ssyncset.done @!p0 $0x0  }
0x3e: {  	[sflag:s21] =	ssyncadd.s32 @!p0 $0xFFFFF800  }
0x3f: {  	s29 =	simm.s32 $0x0;
	[bflag:$0x0] =	sbarrier.arrive $0xFFFF  }
0x40: {  	[tilespmem:s29], [sflag:$0x1] =	stream.linear.gather [hbm4b:s6+s29], $0x2800, $0x38;
	[tilespmem:$0x1C880] =	vst v63  }
0x41: {  	_ =	swait.ge [sflag:s18], $0x2800  }
0x42: {  	[sflag:s18] =	ssyncset.done $0x0  }
0x43: {  	[sflag:s18] =	ssyncadd.s32 $0xFFFFD800  }
0x44: {  	[tilespmem:s19], [sflag:$0x1] =	stream.linear.gather [hbm4b:s7+s29], $0x2800, $0x38;
	[tilespmem:$0x1C880] =	vst v63  }
0x45: {  	_ =	swait.ge [sflag:s18], $0x2800  }
0x46: {  	[sflag:s18] =	ssyncset.done $0x0  }
0x47: {  	s30 =	simm.s32 $0x0;
	[sflag:s18] =	ssyncadd.s32 $0xFFFFD800  }
0x48: {  	[tilespmem:s17], [sflag:$0x1] =	stream.indirect.gather [hbm4b:s0+s20], $0x80, s30, s20, $0xb8;
	[tilespmem:$0x1C880] =	vst v63  }
0x49: {  	_ =	swait.ge [sflag:s18], $0x3E80  }
0x4a: {  	[sflag:s18] =	ssyncset.done $0x0  }
0x4b: {  	s31 =	simm.s32 $0x2800;
	[sflag:s18] =	ssyncadd.s32 $0xFFFFC180  }
0x4c: {  	[spmem:s3] =	stream.indirect.scatter.add.f32 [tilespmem:s17], [sflag:$0x1], $0x80, s31, s20, $0xb8;
	[tilespmem:$0x1C880] =	vst v63  }
0x4d: {  	_ =	swait.ge [sflag:s18], $0x3E80  }
0x4e: {  	s22 =	simm.s32 $0x400;
	s21 =	simm.s32 $0x200;
	[sflag:s18] =	ssyncset.done $0x0  }
.LBB2_4:
0x4f: {  	s23 =	sshra.s32 s21, $0x2  }
0x50: {  	[sflag:s18] =	ssyncadd.s32 $0xFFFFC180;
	s21 =	smov.u32 s22;
	s24 =	sadd.s32 $0x200, s22  }
0x51: {  	[tilespmem:s17], [sflag:$0x1] =	stream.indirect.gather [hbm4b:s0+s20], $0x80, s23, s20, $0xb8;
	[tilespmem:$0x1C880] =	vst v63  }
0x52: {  	p1 =	sne.s32 s22, $0x9E00;
	_ =	swait.ge [sflag:s18], $0x3E80  }
.Ltmp1:
0x53: {  	[sflag:s18] =	ssyncset.done $0x0;
	(pc) =	sbr.rel @p1 .LBB2_4-.Ltmp1, $4  }
0x54: {  	s22 =	sadd.s32 $0x2800, s23;
	[sflag:s18] =	ssyncadd.s32 $0xFFFFC180  }
0x55: {  	[spmem:s3] =	stream.indirect.scatter.add.f32 [tilespmem:s17], [sflag:$0x1], $0x80, s22, s20, $0xb8;
	[tilespmem:$0x1C880] =	vst v63  }
0x56: {  	_ =	swait.ge [sflag:s18], $0x3E80  }
0x57: {  	s22 =	smov.u32 s24;
	[sflag:s18] =	ssyncset.done $0x0  }
0x58: {  	s21 =	sshra.s32 s21, $0x2;
	[sflag:s18] =	ssyncadd.s32 $0xFFFFC180  }
0x59: {  	[tilespmem:s17], [sflag:$0x1] =	stream.indirect.gather [hbm4b:s0+s20], $0x80, s21, s20, $0xb8;
	[tilespmem:$0x1C880] =	vst v63  }
0x5a: {  	_ =	swait.ge [sflag:s18], $0x3E80  }
0x5b: {  	[sflag:s18] =	ssyncset.done $0x0  }
0x5c: {  	s21 =	sadd.s32 $0x2800, s21;
	[sflag:s18] =	ssyncadd.s32 $0xFFFFC180  }
0x5d: {  	[spmem:s3] =	stream.indirect.scatter.add.f32 [tilespmem:s17], [sflag:$0x1], $0x80, s21, s20, $0xb8;
	[tilespmem:$0x1C880] =	vst v63  }
0x5e: {  	_ =	swait.ge [sflag:s18], $0x3E80  }
0x5f: {  	[sflag:s18] =	ssyncset.done $0x0  }
0x60: {  	s31 =	sshll.u32 s2, $0x6;
	[sflag:s18] =	ssyncadd.s32 $0xFFFFC180  }
0x61: {  	s22 =	sshrl.u32 s9, $0x3;
	s21 =	sor.u32 $0x1C01, s31;
	[bflag:$0x0] =	sbarrier.arrive $0xFFFF  }
0x62: {  	[hbm:s8], [sflag:s21] =	dma.local [spmem:s22], $0x2700  }
0x63: {  	_ =	swait.ge [sflag:s18], $0x2700  }
0x64: {  	s4 =	sadd.s32 $0x1, s4;
	[sflag:s18] =	ssyncset.done $0x0  }
0x65: {  	p1 =	sne.s32 s4, s11;
	s22 =	sshrl.u32 @!p0 s5, $0x3;
	[sflag:s18] =	ssyncadd.s32 $0xFFFFD900  }
0x66: {  	[hbm:s10], [sflag:s21] =	dma.local @!p0 [spmem:s22], $0x100  }
.Ltmp2:
0x67: {  	_ = 	snop;
	(pc) =	sbr.rel @p1 .LBB2_1-.Ltmp2, $4  }
0x68: {  	s21 =	simm.s32 @!p0 $0x1  }
0x69: {  	_ =	swait.ge @!p0 [sflag:s21], $0x100  }
0x6a: {  	[sflag:s21] =	ssyncset.done @!p0 $0x0  }
0x6b: {  	[sflag:s21] =	ssyncadd.s32 @!p0 $0xFFFFFF00  }
0x6c: {  	_ =	sfence.sel $0x180000  }
0x6d: {  	[bflag:$0x0] =	sbarrier.arrive $0xFFFF  }
0x6e: {  	p0 =	sne.s32 s2, $0x0;
	_ =	strace $0x90000047  }
0x6f: {  	s0 =	sadd.s32 @!p0 $0x100000, s1;
	[bflag:$0x2] =	sbarrier.arrive $0xFFFF  }
0x70: {  	[sflag:s0] =	ssyncadd.tile.s32 @!p0 $0x1;
	_ =	shalt  }
.Lfunc_end2:
_tile_overlayer_lowered:
.L_overlay_start_2:
0x71: {  	(tag) =	ssettag $0x2  }
0x72: {  	s0 =	rddreg [dreg:$0x0];
	s2 =	stileid.u32  }
0x73: {  	s1 =	rddreg [dreg:$0x1];
	p0 =	sne.s32 s2, $0x0  }
0x74: {  	s3 =	rddreg [dreg:$0x2];
	[bflag:$0x3] =	sbarrier.arrive $0xFFFF;
	s2 =	simm.s32 @!p0 $0x1C01  }
0x75: {  	[timem:s3], [sflag:s2] =	dma.local @!p0 [hbm:s0], s1  }
0x76: {  	s0 =	simm.s32 @!p0 $0x1  }
0x77: {  	_ =	swait.ge @!p0 [sflag:s0], s1  }
0x78: {  	s1 =	ssub.s32 @!p0 $0x0, s1;
	[sflag:s0] =	ssyncset.done @!p0 $0x0  }
0x79: {  	[sflag:s0] =	ssyncadd.s32 @!p0 s1  }
0x7a: {  	[bflag:$0x3] =	sbarrier.arrive $0xFFFF  }
0x7b: {  	_ =	shalt  }

// kernel: kernel.15.cloned.1.call-start
scs
__scs_entry_jumppad:
0x0: {  	(pc) =	sbr.rel $0x88, $3  }
0x1: {  	(tag) =	ssettag $0x0;
	lr =	simm.s32 $0x1  }
0x2: {  	[smem:$0x3F72] =	sst lr;
	_ =	strace $0xD0000000  }
0x3: {  	_ = 	snop  }
0x4: {  	_ = 	snop  }
0x5: {  	_ = 	snop  }
0x6: {  	_ = 	snop  }
0x7: {  	_ = 	snop  }
__scs_overlays_trampoline_lowered:
0x8: {  	[smem:$0x3F81] =	sst s0  }
0x9: {  	[smem:$0x3F82] =	sst s1  }
0xa: {  	[smem:$0x3F83] =	sst s2  }
0xb: {  	[smem:$0x3F84] =	sst s3  }
0xc: {  	[smem:$0x3F85] =	sst s4  }
0xd: {  	[smem:$0x3F86] =	sst s5  }
0xe: {  	[smem:$0x3F87] =	sst s6  }
0xf: {  	[smem:$0x3F88] =	sst s7  }
0x10: {  	[smem:$0x3F89] =	sst s8  }
0x11: {  	[smem:$0x3F8A] =	sst s9;
	s0 =	simm.s32 @!p0 $0x0  }
0x12: {  	s1 =	sld [smem:$0x3F70];
	s0 =	simm.s32 @p0 $0x1  }
0x13: {  	[smem:$0x3F8B] =	sst s0;
	s0 =	simm.s32 @!p1 $0x0  }
0x14: {  	s2 =	sld [smem:$0x3F6F];
	s0 =	simm.s32 @p1 $0x1  }
0x15: {  	[smem:$0x3F8C] =	sst s0;
	s0 =	simm.s32 @!p2 $0x0  }
0x16: {  	s3 =	sld [smem:$0x3FDB];
	s0 =	simm.s32 @p2 $0x1  }
0x17: {  	s4 =	simm.s32 $0x1BF5;
	[smem:$0x3F8E] =	sst s0  }
0x18: {  	s0 =	sld [smem:$0x3F71];
	_ =	swait.ge [sflag:s4], $0x0  }
0x19: {  	s7 =	sld [smem:$0x3F72]  }
0x1a: {  	s8 =	sadd.s32 $0xFFFFE003, lr  }
0x1b: {  	s9 =	sadd.s32 $0xFFFFFEF7, lr;
	s5 =	simm.s32 $0xFFFFFFFF;
	p2 =	slt.u32 s8, $0xFFFFF086  }
0x1c: {  	p1 =	slt.u32 s9, $0xF7A;
	s5 =	simm.s32 @!p2 $0x0  }
0x1d: {  	s5 =	simm.s32 @p1 $0x1;
	p0 =	seq.s32 s7, s2  }
0x1e: {  	s7 =	smul.u32 @!p0 $0xF7A, s2;
	p2 =	seq.s32 @!p0 s5, $0x0  }
0x1f: {  	s9 =	smul.u32 $0xF7A, s1;
	s8 =	simm.s32 @!p0 $0x1BF5;
	p2 =	por !p2, p0  }
0x20: {  	[sflag:s8] =	ssyncset.s32 @!p0 $0xFFFFF086;
	s6 =	sadd.s32 @!p0 s3, s7;
	s7 =	simm.s32 @!p0 $0x108  }
0x21: {  	s3 =	sadd.s32 s3, s9;
	s6 =	sadd.s32 @!p0 $0x88, s6;
	s7 =	simm.s32 @p2 $0x1082  }
0x22: {  	[simem:s7], [sflag:s8] =	dma.local @!p0 [hbm:s6], $0xF7A  }
0x23: {  	s9 =	sor.u32 $0xD0000000, s2;
	s6 =	simm.s32 $0x108;
	_ =	swait.ge @!p0 [sflag:s8], $0x0  }
0x24: {  	s3 =	sadd.s32 $0x88, s3;
	s6 =	simm.s32 @!p1 $0x1082;
	[sflag:s4] =	ssyncset.s32 $0xFFFFF086  }
0x25: {  	[simem:s6], [sflag:s4] =	dma.local [hbm:s3], $0xF7A  }
0x26: {  	[smem:$0x3F72] =	sst s1;
	(tag) =	ssettag s2;
	_ =	strace s9  }
0x27: {  	s1 =	sld [smem:$0x3F82]  }
0x28: {  	s2 =	sld [smem:$0x3F83]  }
0x29: {  	s4 =	sld [smem:$0x3F85]  }
0x2a: {  	p0 =	seq.s32 s5, $0x0;
	s5 =	sld [smem:$0x3F86]  }
0x2b: {  	s6 =	sld [smem:$0x3F87]  }
0x2c: {  	s7 =	sld [smem:$0x3F88]  }
0x2d: {  	s3 =	simm.s32 $0x108;
	s8 =	sld [smem:$0x3F89]  }
0x2e: {  	s3 =	simm.s32 @!p0 $0x1082;
	s9 =	sld [smem:$0x3F8A]  }
0x2f: {  	lr =	sadd.s32 s0, s3;
	s0 =	sld [smem:$0x3F81]  }
0x30: {  	s3 =	sld [smem:$0x3F84]  }
0x31: {  	[smem:$0x3F8D] =	sst s10  }
0x32: {  	s10 =	sld [smem:$0x3F8B];
	_ =	sdelay $0x3  }
0x33: {  	p0 =	seq.s32 s10, $0x1;
	s10 =	sld [smem:$0x3F8D];
	_ =	sdelay $0x3  }
0x34: {  	[smem:$0x3F8D] =	sst s10  }
0x35: {  	s10 =	sld [smem:$0x3F8C];
	_ =	sdelay $0x3  }
0x36: {  	p1 =	seq.s32 s10, $0x1;
	s10 =	sld [smem:$0x3F8D];
	_ =	sdelay $0x3  }
0x37: {  	[smem:$0x3F8D] =	sst s10  }
0x38: {  	s10 =	sld [smem:$0x3F8E]  }
0x39: {  	_ = 	snop;
	(pc) =	sbr.ind lr, $3  }
0x3a: {  	_ = 	snop  }
0x3b: {  	_ = 	snop  }
0x3c: {  	p2 =	seq.s32 s10, $0x1;
	s10 =	sld [smem:$0x3F8D]  }
0x3d: {  	_ =	shalt  }
0x3e: {  	_ =	shalt  }
0x3f: {  	_ =	shalt  }
0x40: {  	_ =	shalt  }
0x41: {  	_ =	shalt  }
0x42: {  	_ =	shalt  }
0x43: {  	_ =	shalt  }
0x44: {  	_ =	shalt  }
0x45: {  	_ =	shalt  }
0x46: {  	_ =	shalt  }
0x47: {  	_ =	shalt  }
0x48: {  	_ =	shalt  }
0x49: {  	_ =	shalt  }
0x4a: {  	_ =	shalt  }
0x4b: {  	_ =	shalt  }
0x4c: {  	_ =	shalt  }
0x4d: {  	_ =	shalt  }
0x4e: {  	_ =	shalt  }
0x4f: {  	_ =	shalt  }
0x50: {  	_ =	shalt  }
0x51: {  	_ =	shalt  }
0x52: {  	_ =	shalt  }
0x53: {  	_ =	shalt  }
0x54: {  	_ =	shalt  }
0x55: {  	_ =	shalt  }
0x56: {  	_ =	shalt  }
0x57: {  	_ =	shalt  }
0x58: {  	_ =	shalt  }
0x59: {  	_ =	shalt  }
0x5a: {  	_ =	shalt  }
0x5b: {  	_ =	shalt  }
0x5c: {  	_ =	shalt  }
0x5d: {  	_ =	shalt  }
0x5e: {  	_ =	shalt  }
0x5f: {  	_ =	shalt  }
0x60: {  	_ =	shalt  }
0x61: {  	_ =	shalt  }
0x62: {  	_ =	shalt  }
0x63: {  	_ =	shalt  }
0x64: {  	_ =	shalt  }
0x65: {  	_ =	shalt  }
0x66: {  	_ =	shalt  }
0x67: {  	_ =	shalt  }
0x68: {  	_ =	shalt  }
0x69: {  	_ =	shalt  }
0x6a: {  	_ =	shalt  }
0x6b: {  	_ =	shalt  }
0x6c: {  	_ =	shalt  }
0x6d: {  	_ =	shalt  }
0x6e: {  	_ =	shalt  }
0x6f: {  	_ =	shalt  }
0x70: {  	_ =	shalt  }
0x71: {  	_ =	shalt  }
0x72: {  	_ =	shalt  }
0x73: {  	_ =	shalt  }
0x74: {  	_ =	shalt  }
0x75: {  	_ =	shalt  }
0x76: {  	_ =	shalt  }
0x77: {  	_ =	shalt  }
0x78: {  	_ =	shalt  }
0x79: {  	_ =	shalt  }
0x7a: {  	_ =	shalt  }
0x7b: {  	_ =	shalt  }
0x7c: {  	_ =	shalt  }
0x7d: {  	_ =	shalt  }
0x7e: {  	_ =	shalt  }
0x7f: {  	_ =	shalt  }
0x80: {  	_ =	shalt  }
0x81: {  	_ =	shalt  }
0x82: {  	_ =	shalt  }
0x83: {  	_ =	shalt  }
0x84: {  	_ =	shalt  }
0x85: {  	_ =	shalt  }
0x86: {  	_ =	shalt  }
0x87: {  	_ =	shalt  }
.Lfunc_end0:
.L_simem_size_0:
called_computation.1_lowered:
.L_overlay_start_0:
0x88: {  	s2 =	sld [smem:$0x3FD9]  }
0x89: {  	s3 =	sld [smem:$0x3FFE];
	_ =	sdelay $0x1  }
0x8a: {  	s1 =	srdreg.scid  }
0x8b: {  	s0 =	sand.u32 $0x1, s1  }
0x8c: {  	s16 =	sshll.u32 s0, $0xA;
	s2 =	sadd.s32 s3, s2  }
0x8d: {  	s2 =	sadd.s32 s2, s16  }
0x8e: {  	[smem:$0x3F99] =	sst s2  }
0x8f: {  	_ = 	snop  }
0x90: {  	(tm) =	ssettm $0x1  }
0x91: {  	s17 =	sld [smem:$0x3FFB];
	_ =	sdelay $0x3  }
0x92: {  	_ =	strace s17  }
0x93: {  	s2 =	sld [smem:$0x3FFC];
	_ =	sdelay $0x3  }
0x94: {  	_ =	strace s2  }
0x95: {  	s2 =	sld [smem:$0x3FFD];
	_ =	sdelay $0x3  }
0x96: {  	_ =	strace s2  }
0x97: {  	_ =	strace $0x8FFFFFFF  }
0x98: {  	s18 =	sld [smem:$0x3FDB];
	_ =	sdelay $0x1  }
0x99: {  	s19 =	simm.s32 $_scs_section_size  }
0x9a: {  	s4 =	simm.s32 $_size__tile_overlayer_lowered;
	s5 =	simm.s32 $_tile_overlayer_lowered  }
0x9b: {  	s22 =	simm.s32 $0x1BFF;
	s21 =	sshll.u32 s5, $0x1;
	s2 =	sadd.s32 s19, s18  }
0x9c: {  	s6 =	simm.s32 $0x0;
	s20 =	sshll.u32 s4, $0x1;
	s4 =	sadd.s32 s21, s2  }
0x9d: {  	[timem:s6], [sflag:s22] =	dma.local [hbm:s4], s20  }
0x9e: {  	_ =	swait.ge [sflag:s22], s20  }
0x9f: {  	s3 =	ssub.s32 $0x0, s20;
	[sflag:s22] =	ssyncset.done $0x0  }
0xa0: {  	[sflag:s22] =	ssyncadd.s32 s3;
	_ =	sdelay $0x1  }
0xa1: {  	s23 =	simm.s32 $0x1B8B  }
0xa2: {  	_ =	swait.ge [sflag:s23], $0x1  }
0xa3: {  	[sflag:s23] =	ssyncset.done $0x0  }
0xa4: {  	s25 =	simm.s32 $0x1B8E;
	s24 =	sld [smem:$0x3FFE];
	[sflag:s23] =	ssyncadd.s32 $0xFFFFFFFF  }
0xa5: {  	s26 =	simm.s32 $execute0_lowered;
	[smem:$0x3FD2] =	sst s25  }
0xa6: {  	s4 =	sshll.u32 s26, $0x1;
	_ =	strace $0x80000049;
	[dreg:$0x1] =	wrdreg $0xFFFFFFFF  }
0xa7: {  	s28 =	simm.s32 $_size_execute0_lowered;
	s2 =	sadd.s32 s2, s4;
	[dreg:$0x0] =	wrdreg $0x0  }
0xa8: {  	s4 =	sshll.u32 s28, $0x1;
	[dreg:$0x2] =	wrdreg s2  }
0xa9: {  	[dreg:$0x3] =	wrdreg s4  }
0xaa: {  	[dreg:$0x4] =	wrdreg $0xC0  }
0xab: {  	_ =	task [dreg:s6], $0x5FFFF  }
0xac: {  	[dreg:$0x1] =	wrdreg $0xFFFFFFFF  }
0xad: {  	[dreg:$0x0] =	wrdreg $0x60  }
0xae: {  	[dreg:$0x2] =	wrdreg s24  }
0xaf: {  	[dreg:$0x3] =	wrdreg $0x90000  }
0xb0: {  	[dreg:$0x4] =	wrdreg $0x9  }
0xb1: {  	_ =	task.clear_ibuf [dreg:s6], $0x5FFFF;
	_ =	strace $0x90000049  }
0xb2: {  	s29 =	simm.s32 $0x9;
	_ =	strace $0x8000004B  }
0xb3: {  	_ =	swait.ge [sflag:s29], $0x1  }
0xb4: {  	[sflag:s29] =	ssyncadd.s32 $0xFFFFFFFF  }
0xb5: {  	_ =	strace $0x9000004B  }
0xb6: {  	_ =	sfence  }
0xb7: {  	s30 =	sld [smem:$0x0];
	_ =	sdelay $0x2  }
0xb8: {  	s31 =	sshll.u32 s1, $0xD;
	s1 =	sshrl.u32 s1, $0x2  }
0xb9: {  	s3 =	sand.u32 $0x4000, s31;
	s1 =	sadd.s32 s1, s30  }
0xba: {  	s0 =	sor.u32 s3, s0;
	s1 =	sshll.u32 s1, $0x11  }
0xbb: {  	s0 =	sor.u32 s1, s0  }
0xbc: {  	s0 =	sadd.s32 $0x8F2B, s0  }
0xbd: {  	[sflag:s0] =	ssyncadd.remote.s32 $0x1  }
0xbe: {  	_ =	sfence.sel $0xFFFF  }
0xbf: {  	[dreg:$0x0] =	wrdreg $0xFFFFFFFF;
	(pc) =	sbr.abs _section_cstart, $3  }
0xc0: {  	[dreg:$0x1] =	wrdreg $0xFFFFFFFF  }
0xc1: {  	_ =	task.clear_ibuf [dreg:s6], $0x2FFFF;
	_ =	strace $0x9FFFFFFF  }
0xc2: {  	(tm) =	ssettm $0x7FFFFFFF  }
0xc3: {  	_ =	shalt  }
tec
execute0_lowered:
.L_overlay_start_1:
0x0: {  	(tag) =	ssettag $0x1  }
0x1: {  	s0 =	srdreg.scid;
	s5 =	rddreg [dreg:$0x0]  }
0x2: {  	s2 =	rddreg [dreg:$0x1];
	s1 =	stileid.u32  }
0x3: {  	s3 =	simm.s32 $0x0;
	s17 =	simm.s32 $0x5000;
	s18 =	simm.s32 $0x1  }
0x4: {  	s19 =	simm.s32 $0x2800;
	s6 =	sand.u32 $0x1, s0;
	s0 =	rddreg [dreg:$0x2]  }
0x5: {  	s20 =	simm.s32 $0x7D;
	[smem:$0x7FF] =	sst s3;
	s11 =	smul.u32 $0x13800, s1  }
0x6: {  	s10 =	sadd.s32 $0x43A00, s5;
	s31 =	smul.u32 $0x4E000, s1;
	p0 =	sne.s32 s1, $0xF  }
0x7: {  	s4 =	sshll.u32 s6, $0x4;
	_ =	strace $0x8000004A;
	s8 =	ssub.s32 $0x2, s6  }
0x8: {  	s9 =	smul.u32 $0x138800, s6;
	s4 =	sor.u32 s1, s4;
	s30 =	sshrl.u32 s8, $0x1  }
0x9: {  	s13 =	sshrl.u32 s31, $0x2;
	s7 =	smul.u32 $0x500, s4;
	s4 =	sadd.s32 $0x1C800, s5  }
0xa: {  	s11 =	sadd.s32 s11, s9;
	s14 =	sshrl.u32 s9, $0x3;
	s9 =	sadd.s32 s13, s2  }
0xb: {  	s12 =	ssub.s32 s8, s30;
	s11 =	sshrl.u32 s11, $0x3;
	s13 =	sadd.s32 $0x6800, s9  }
0xc: {  	s15 =	sadd.s32 $0xD000, s9;
	s16 =	sadd.s32 $0x10400, s9;
	s7 =	sadd.s32 s7, s5  }
0xd: {  	s5 =	sadd.s32 $0x138000, s2;
	s8 =	sadd.s32 s10, s11;
	s10 =	sadd.s32 s10, s14  }
0xe: {  	s11 =	smax.u32 s12, $0x1;
	s12 =	sadd.s32 $0x3400, s9;
	s14 =	sadd.s32 $0x9C00, s9  }
0xf: {  	v0 =	vimm.f32 $0.0e+00;
	s6 =	sadd.s32 $0x8800, s7;
	s7 =	sadd.s32 $0x12800, s7;
	s10 =	sadd.s32 $0x27000, s10  }
.LBB2_1:
0x10: {  	s21 =	simm.s32 $0x70;
	s22 =	simm.s32 $0x3C0  }
.LBB2_2:
0x11: {  	p1 =	sne.s32 s22, $0xCFC0;
	[tilespmem:s21+$0x5000] =	vst v0  }
0x12: {  	[tilespmem:s21+$0x4F90] =	vst v0  }
0x13: {  	[tilespmem:s21+$0x4FA0] =	vst v0  }
.Ltmp0:
0x14: {  	[tilespmem:s21+$0x4FB0] =	vst v0;
	(pc) =	sbr.rel @p1 .LBB2_2-.Ltmp0, $4  }
0x15: {  	[tilespmem:s21+$0x4FC0] =	vst v0  }
0x16: {  	[tilespmem:s21+$0x4FD0] =	vst v0  }
0x17: {  	[tilespmem:s21+$0x4FE0] =	vst v0  }
0x18: {  	[tilespmem:s21+$0x4FF0] =	vst v0;
	s21 =	sshra.s32 s22, $0x2;
	s22 =	sadd.s32 $0x200, s22  }
0x19: {  	[tilespmem:s21+$0x5000] =	vst v0  }
0x1a: {  	[tilespmem:s21+$0x4F90] =	vst v0  }
0x1b: {  	[tilespmem:s21+$0x4FA0] =	vst v0  }
0x1c: {  	[tilespmem:s21+$0x4FB0] =	vst v0  }
0x1d: {  	[tilespmem:s21+$0x4FC0] =	vst v0  }
0x1e: {  	[tilespmem:s21+$0x4FD0] =	vst v0  }
0x1f: {  	[tilespmem:s21+$0x4FE0] =	vst v0  }
0x20: {  	[tilespmem:s21+$0x4FF0] =	vst v0  }
0x21: {  	[spmem:s9] =	stream.linear.scatter [tilespmem:s17], [sflag:$0x1], $0x3400, $0x38;
	[tilespmem:$0x1C880] =	vst v63  }
0x22: {  	_ =	swait.ge [sflag:s18], $0x3400  }
0x23: {  	[sflag:s18] =	ssyncset.done $0x0  }
0x24: {  	[sflag:s18] =	ssyncadd.s32 $0xFFFFCC00  }
0x25: {  	[spmem:s12] =	stream.linear.scatter [tilespmem:s17], [sflag:$0x1], $0x3400, $0x38;
	[tilespmem:$0x1C880] =	vst v63  }
0x26: {  	_ =	swait.ge [sflag:s18], $0x3400  }
0x27: {  	[sflag:s18] =	ssyncset.done $0x0  }
0x28: {  	[sflag:s18] =	ssyncadd.s32 $0xFFFFCC00  }
0x29: {  	[spmem:s13] =	stream.linear.scatter [tilespmem:s17], [sflag:$0x1], $0x3400, $0x38;
	[tilespmem:$0x1C880] =	vst v63  }
0x2a: {  	_ =	swait.ge [sflag:s18], $0x3400  }
0x2b: {  	[sflag:s18] =	ssyncset.done $0x0  }
0x2c: {  	[sflag:s18] =	ssyncadd.s32 $0xFFFFCC00  }
0x2d: {  	[spmem:s14] =	stream.linear.scatter [tilespmem:s17], [sflag:$0x1], $0x3400, $0x38;
	[tilespmem:$0x1C880] =	vst v63  }
0x2e: {  	_ =	swait.ge [sflag:s18], $0x3400  }
0x2f: {  	[sflag:s18] =	ssyncset.done $0x0  }
0x30: {  	[sflag:s18] =	ssyncadd.s32 $0xFFFFCC00  }
0x31: {  	[spmem:s15] =	stream.linear.scatter [tilespmem:s17], [sflag:$0x1], $0x3400, $0x38;
	[tilespmem:$0x1C880] =	vst v63  }
0x32: {  	_ =	swait.ge [sflag:s18], $0x3400  }
0x33: {  	[sflag:s18] =	ssyncset.done $0x0  }
0x34: {  	[sflag:s18] =	ssyncadd.s32 $0xFFFFCC00  }
0x35: {  	[spmem:s16] =	stream.linear.scatter [tilespmem:s17], [sflag:$0x1], $0x3400, $0x38;
	[tilespmem:$0x1C880] =	vst v63  }
0x36: {  	_ =	swait.ge [sflag:s18], $0x3400  }
0x37: {  	[sflag:s18] =	ssyncset.done $0x0  }
0x38: {  	s21 =	simm.s32 @!p0 $0x5000;
	[sflag:s18] =	ssyncadd.s32 $0xFFFFCC00  }
0x39: {  	[spmem:s5] =	stream.linear.scatter @!p0 [tilespmem:s21], [sflag:$0x1], $0x800, $0x38;
	[tilespmem:$0x1C880] =	vst v63  }
0x3a: {  	s21 =	simm.s32 @!p0 $0x1  }
0x3b: {  	_ =	swait.ge @!p0 [sflag:s21], $0x800  }
0x3c: {  	[sflag:s21] =	ssyncset.done @!p0 $0x0  }
0x3d: {  	[sflag:s21] =	ssyncadd.s32 @!p0 $0xFFFFF800  }
0x3e: {  	s29 =	simm.s32 $0x0;
	[bflag:$0x0] =	sbarrier.arrive $0xFFFF  }
0x3f: {  	[tilespmem:s29], [sflag:$0x1] =	stream.linear.gather [hbm4b:s6+s29], $0x2800, $0x38;
	[tilespmem:$0x1C880] =	vst v63  }
0x40: {  	_ =	swait.ge [sflag:s18], $0x2800  }
0x41: {  	[sflag:s18] =	ssyncset.done $0x0  }
0x42: {  	[sflag:s18] =	ssyncadd.s32 $0xFFFFD800  }
0x43: {  	[tilespmem:s19], [sflag:$0x1] =	stream.linear.gather [hbm4b:s7+s29], $0x2800, $0x38;
	[tilespmem:$0x1C880] =	vst v63  }
0x44: {  	_ =	swait.ge [sflag:s18], $0x2800  }
0x45: {  	[sflag:s18] =	ssyncset.done $0x0  }
0x46: {  	s30 =	simm.s32 $0x0;
	[sflag:s18] =	ssyncadd.s32 $0xFFFFD800  }
0x47: {  	[tilespmem:s17], [sflag:$0x1] =	stream.indirect.gather [hbm4b:s4+s20], $0x80, s30, s20, $0xb8;
	[tilespmem:$0x1C880] =	vst v63  }
0x48: {  	_ =	swait.ge [sflag:s18], $0x3E80  }
0x49: {  	[sflag:s18] =	ssyncset.done $0x0  }
0x4a: {  	s31 =	simm.s32 $0x2800;
	[sflag:s18] =	ssyncadd.s32 $0xFFFFC180  }
0x4b: {  	[spmem:s2] =	stream.indirect.scatter.add.f32 [tilespmem:s17], [sflag:$0x1], $0x80, s31, s20, $0xb8;
	[tilespmem:$0x1C880] =	vst v63  }
0x4c: {  	_ =	swait.ge [sflag:s18], $0x3E80  }
0x4d: {  	s22 =	simm.s32 $0x400;
	s21 =	simm.s32 $0x200;
	[sflag:s18] =	ssyncset.done $0x0  }
.LBB2_4:
0x4e: {  	s23 =	sshra.s32 s21, $0x2  }
0x4f: {  	[sflag:s18] =	ssyncadd.s32 $0xFFFFC180;
	s21 =	smov.u32 s22;
	s24 =	sadd.s32 $0x200, s22  }
0x50: {  	[tilespmem:s17], [sflag:$0x1] =	stream.indirect.gather [hbm4b:s4+s20], $0x80, s23, s20, $0xb8;
	[tilespmem:$0x1C880] =	vst v63  }
0x51: {  	p1 =	sne.s32 s22, $0x9E00;
	_ =	swait.ge [sflag:s18], $0x3E80  }
.Ltmp1:
0x52: {  	[sflag:s18] =	ssyncset.done $0x0;
	(pc) =	sbr.rel @p1 .LBB2_4-.Ltmp1, $4  }
0x53: {  	s22 =	sadd.s32 $0x2800, s23;
	[sflag:s18] =	ssyncadd.s32 $0xFFFFC180  }
0x54: {  	[spmem:s2] =	stream.indirect.scatter.add.f32 [tilespmem:s17], [sflag:$0x1], $0x80, s22, s20, $0xb8;
	[tilespmem:$0x1C880] =	vst v63  }
0x55: {  	_ =	swait.ge [sflag:s18], $0x3E80  }
0x56: {  	s22 =	smov.u32 s24;
	[sflag:s18] =	ssyncset.done $0x0  }
0x57: {  	s21 =	sshra.s32 s21, $0x2;
	[sflag:s18] =	ssyncadd.s32 $0xFFFFC180  }
0x58: {  	[tilespmem:s17], [sflag:$0x1] =	stream.indirect.gather [hbm4b:s4+s20], $0x80, s21, s20, $0xb8;
	[tilespmem:$0x1C880] =	vst v63  }
0x59: {  	_ =	swait.ge [sflag:s18], $0x3E80  }
0x5a: {  	[sflag:s18] =	ssyncset.done $0x0  }
0x5b: {  	s21 =	sadd.s32 $0x2800, s21;
	[sflag:s18] =	ssyncadd.s32 $0xFFFFC180  }
0x5c: {  	[spmem:s2] =	stream.indirect.scatter.add.f32 [tilespmem:s17], [sflag:$0x1], $0x80, s21, s20, $0xb8;
	[tilespmem:$0x1C880] =	vst v63  }
0x5d: {  	_ =	swait.ge [sflag:s18], $0x3E80  }
0x5e: {  	[sflag:s18] =	ssyncset.done $0x0  }
0x5f: {  	s31 =	sshll.u32 s1, $0x6;
	[sflag:s18] =	ssyncadd.s32 $0xFFFFC180  }
0x60: {  	s22 =	sshrl.u32 s9, $0x3;
	s21 =	sor.u32 $0x1C01, s31;
	[bflag:$0x0] =	sbarrier.arrive $0xFFFF  }
0x61: {  	[hbm:s8], [sflag:s21] =	dma.local [spmem:s22], $0x2700  }
0x62: {  	_ =	swait.ge [sflag:s18], $0x2700  }
0x63: {  	s3 =	sadd.s32 $0x1, s3;
	[sflag:s18] =	ssyncset.done $0x0  }
0x64: {  	p1 =	sne.s32 s3, s11;
	s22 =	sshrl.u32 @!p0 s5, $0x3;
	[sflag:s18] =	ssyncadd.s32 $0xFFFFD900  }
0x65: {  	[hbm:s10], [sflag:s21] =	dma.local @!p0 [spmem:s22], $0x100  }
.Ltmp2:
0x66: {  	_ = 	snop;
	(pc) =	sbr.rel @p1 .LBB2_1-.Ltmp2, $4  }
0x67: {  	s21 =	simm.s32 @!p0 $0x1  }
0x68: {  	_ =	swait.ge @!p0 [sflag:s21], $0x100  }
0x69: {  	[sflag:s21] =	ssyncset.done @!p0 $0x0  }
0x6a: {  	[sflag:s21] =	ssyncadd.s32 @!p0 $0xFFFFFF00  }
0x6b: {  	_ =	sfence.sel $0x180000  }
0x6c: {  	[bflag:$0x0] =	sbarrier.arrive $0xFFFF  }
0x6d: {  	p0 =	sne.s32 s1, $0x0;
	_ =	strace $0x9000004A  }
0x6e: {  	s0 =	sadd.s32 @!p0 $0x100000, s0;
	[bflag:$0x2] =	sbarrier.arrive $0xFFFF  }
0x6f: {  	[sflag:s0] =	ssyncadd.tile.s32 @!p0 $0x1;
	_ =	shalt  }
.Lfunc_end2:
_tile_overlayer_lowered:
.L_overlay_start_2:
0x70: {  	(tag) =	ssettag $0x2  }
0x71: {  	s0 =	rddreg [dreg:$0x0];
	s2 =	stileid.u32  }
0x72: {  	s1 =	rddreg [dreg:$0x1];
	p0 =	sne.s32 s2, $0x0  }
0x73: {  	s3 =	rddreg [dreg:$0x2];
	[bflag:$0x3] =	sbarrier.arrive $0xFFFF;
	s2 =	simm.s32 @!p0 $0x1C01  }
0x74: {  	[timem:s3], [sflag:s2] =	dma.local @!p0 [hbm:s0], s1  }
0x75: {  	s0 =	simm.s32 @!p0 $0x1  }
0x76: {  	_ =	swait.ge @!p0 [sflag:s0], s1  }
0x77: {  	s1 =	ssub.s32 @!p0 $0x0, s1;
	[sflag:s0] =	ssyncset.done @!p0 $0x0  }
0x78: {  	[sflag:s0] =	ssyncadd.s32 @!p0 s1  }
0x79: {  	[bflag:$0x3] =	sbarrier.arrive $0xFFFF  }
0x7a: {  	_ =	shalt  }

// kernel: kernel.18.cloned.1.call-start
scs
__scs_entry_jumppad:
0x0: {  	(pc) =	sbr.rel $0x88, $3  }
0x1: {  	(tag) =	ssettag $0x0;
	lr =	simm.s32 $0x1  }
0x2: {  	[smem:$0x3F72] =	sst lr;
	_ =	strace $0xD0000000  }
0x3: {  	_ = 	snop  }
0x4: {  	_ = 	snop  }
0x5: {  	_ = 	snop  }
0x6: {  	_ = 	snop  }
0x7: {  	_ = 	snop  }
__scs_overlays_trampoline_lowered:
0x8: {  	[smem:$0x3F81] =	sst s0  }
0x9: {  	[smem:$0x3F82] =	sst s1  }
0xa: {  	[smem:$0x3F83] =	sst s2  }
0xb: {  	[smem:$0x3F84] =	sst s3  }
0xc: {  	[smem:$0x3F85] =	sst s4  }
0xd: {  	[smem:$0x3F86] =	sst s5  }
0xe: {  	[smem:$0x3F87] =	sst s6  }
0xf: {  	[smem:$0x3F88] =	sst s7  }
0x10: {  	[smem:$0x3F89] =	sst s8  }
0x11: {  	[smem:$0x3F8A] =	sst s9;
	s0 =	simm.s32 @!p0 $0x0  }
0x12: {  	s1 =	sld [smem:$0x3F70];
	s0 =	simm.s32 @p0 $0x1  }
0x13: {  	[smem:$0x3F8B] =	sst s0;
	s0 =	simm.s32 @!p1 $0x0  }
0x14: {  	s2 =	sld [smem:$0x3F6F];
	s0 =	simm.s32 @p1 $0x1  }
0x15: {  	[smem:$0x3F8C] =	sst s0;
	s0 =	simm.s32 @!p2 $0x0  }
0x16: {  	s3 =	sld [smem:$0x3FDB];
	s0 =	simm.s32 @p2 $0x1  }
0x17: {  	s4 =	simm.s32 $0x1BF5;
	[smem:$0x3F8E] =	sst s0  }
0x18: {  	s0 =	sld [smem:$0x3F71];
	_ =	swait.ge [sflag:s4], $0x0  }
0x19: {  	s7 =	sld [smem:$0x3F72]  }
0x1a: {  	s8 =	sadd.s32 $0xFFFFE003, lr  }
0x1b: {  	s9 =	sadd.s32 $0xFFFFFEF7, lr;
	s5 =	simm.s32 $0xFFFFFFFF;
	p2 =	slt.u32 s8, $0xFFFFF086  }
0x1c: {  	p1 =	slt.u32 s9, $0xF7A;
	s5 =	simm.s32 @!p2 $0x0  }
0x1d: {  	s5 =	simm.s32 @p1 $0x1;
	p0 =	seq.s32 s7, s2  }
0x1e: {  	s7 =	smul.u32 @!p0 $0xF7A, s2;
	p2 =	seq.s32 @!p0 s5, $0x0  }
0x1f: {  	s9 =	smul.u32 $0xF7A, s1;
	s8 =	simm.s32 @!p0 $0x1BF5;
	p2 =	por !p2, p0  }
0x20: {  	[sflag:s8] =	ssyncset.s32 @!p0 $0xFFFFF086;
	s6 =	sadd.s32 @!p0 s3, s7;
	s7 =	simm.s32 @!p0 $0x108  }
0x21: {  	s3 =	sadd.s32 s3, s9;
	s6 =	sadd.s32 @!p0 $0x88, s6;
	s7 =	simm.s32 @p2 $0x1082  }
0x22: {  	[simem:s7], [sflag:s8] =	dma.local @!p0 [hbm:s6], $0xF7A  }
0x23: {  	s9 =	sor.u32 $0xD0000000, s2;
	s6 =	simm.s32 $0x108;
	_ =	swait.ge @!p0 [sflag:s8], $0x0  }
0x24: {  	s3 =	sadd.s32 $0x88, s3;
	s6 =	simm.s32 @!p1 $0x1082;
	[sflag:s4] =	ssyncset.s32 $0xFFFFF086  }
0x25: {  	[simem:s6], [sflag:s4] =	dma.local [hbm:s3], $0xF7A  }
0x26: {  	[smem:$0x3F72] =	sst s1;
	(tag) =	ssettag s2;
	_ =	strace s9  }
0x27: {  	s1 =	sld [smem:$0x3F82]  }
0x28: {  	s2 =	sld [smem:$0x3F83]  }
0x29: {  	s4 =	sld [smem:$0x3F85]  }
0x2a: {  	p0 =	seq.s32 s5, $0x0;
	s5 =	sld [smem:$0x3F86]  }
0x2b: {  	s6 =	sld [smem:$0x3F87]  }
0x2c: {  	s7 =	sld [smem:$0x3F88]  }
0x2d: {  	s3 =	simm.s32 $0x108;
	s8 =	sld [smem:$0x3F89]  }
0x2e: {  	s3 =	simm.s32 @!p0 $0x1082;
	s9 =	sld [smem:$0x3F8A]  }
0x2f: {  	lr =	sadd.s32 s0, s3;
	s0 =	sld [smem:$0x3F81]  }
0x30: {  	s3 =	sld [smem:$0x3F84]  }
0x31: {  	[smem:$0x3F8D] =	sst s10  }
0x32: {  	s10 =	sld [smem:$0x3F8B];
	_ =	sdelay $0x3  }
0x33: {  	p0 =	seq.s32 s10, $0x1;
	s10 =	sld [smem:$0x3F8D];
	_ =	sdelay $0x3  }
0x34: {  	[smem:$0x3F8D] =	sst s10  }
0x35: {  	s10 =	sld [smem:$0x3F8C];
	_ =	sdelay $0x3  }
0x36: {  	p1 =	seq.s32 s10, $0x1;
	s10 =	sld [smem:$0x3F8D];
	_ =	sdelay $0x3  }
0x37: {  	[smem:$0x3F8D] =	sst s10  }
0x38: {  	s10 =	sld [smem:$0x3F8E]  }
0x39: {  	_ = 	snop;
	(pc) =	sbr.ind lr, $3  }
0x3a: {  	_ = 	snop  }
0x3b: {  	_ = 	snop  }
0x3c: {  	p2 =	seq.s32 s10, $0x1;
	s10 =	sld [smem:$0x3F8D]  }
0x3d: {  	_ =	shalt  }
0x3e: {  	_ =	shalt  }
0x3f: {  	_ =	shalt  }
0x40: {  	_ =	shalt  }
0x41: {  	_ =	shalt  }
0x42: {  	_ =	shalt  }
0x43: {  	_ =	shalt  }
0x44: {  	_ =	shalt  }
0x45: {  	_ =	shalt  }
0x46: {  	_ =	shalt  }
0x47: {  	_ =	shalt  }
0x48: {  	_ =	shalt  }
0x49: {  	_ =	shalt  }
0x4a: {  	_ =	shalt  }
0x4b: {  	_ =	shalt  }
0x4c: {  	_ =	shalt  }
0x4d: {  	_ =	shalt  }
0x4e: {  	_ =	shalt  }
0x4f: {  	_ =	shalt  }
0x50: {  	_ =	shalt  }
0x51: {  	_ =	shalt  }
0x52: {  	_ =	shalt  }
0x53: {  	_ =	shalt  }
0x54: {  	_ =	shalt  }
0x55: {  	_ =	shalt  }
0x56: {  	_ =	shalt  }
0x57: {  	_ =	shalt  }
0x58: {  	_ =	shalt  }
0x59: {  	_ =	shalt  }
0x5a: {  	_ =	shalt  }
0x5b: {  	_ =	shalt  }
0x5c: {  	_ =	shalt  }
0x5d: {  	_ =	shalt  }
0x5e: {  	_ =	shalt  }
0x5f: {  	_ =	shalt  }
0x60: {  	_ =	shalt  }
0x61: {  	_ =	shalt  }
0x62: {  	_ =	shalt  }
0x63: {  	_ =	shalt  }
0x64: {  	_ =	shalt  }
0x65: {  	_ =	shalt  }
0x66: {  	_ =	shalt  }
0x67: {  	_ =	shalt  }
0x68: {  	_ =	shalt  }
0x69: {  	_ =	shalt  }
0x6a: {  	_ =	shalt  }
0x6b: {  	_ =	shalt  }
0x6c: {  	_ =	shalt  }
0x6d: {  	_ =	shalt  }
0x6e: {  	_ =	shalt  }
0x6f: {  	_ =	shalt  }
0x70: {  	_ =	shalt  }
0x71: {  	_ =	shalt  }
0x72: {  	_ =	shalt  }
0x73: {  	_ =	shalt  }
0x74: {  	_ =	shalt  }
0x75: {  	_ =	shalt  }
0x76: {  	_ =	shalt  }
0x77: {  	_ =	shalt  }
0x78: {  	_ =	shalt  }
0x79: {  	_ =	shalt  }
0x7a: {  	_ =	shalt  }
0x7b: {  	_ =	shalt  }
0x7c: {  	_ =	shalt  }
0x7d: {  	_ =	shalt  }
0x7e: {  	_ =	shalt  }
0x7f: {  	_ =	shalt  }
0x80: {  	_ =	shalt  }
0x81: {  	_ =	shalt  }
0x82: {  	_ =	shalt  }
0x83: {  	_ =	shalt  }
0x84: {  	_ =	shalt  }
0x85: {  	_ =	shalt  }
0x86: {  	_ =	shalt  }
0x87: {  	_ =	shalt  }
.Lfunc_end0:
.L_simem_size_0:
called_computation.2_lowered:
.L_overlay_start_0:
0x88: {  	s2 =	sld [smem:$0x3FD9]  }
0x89: {  	s3 =	sld [smem:$0x3FFE];
	_ =	sdelay $0x1  }
0x8a: {  	s1 =	srdreg.scid  }
0x8b: {  	s0 =	sand.u32 $0x1, s1  }
0x8c: {  	s16 =	sshll.u32 s0, $0xA;
	s2 =	sadd.s32 s3, s2  }
0x8d: {  	s2 =	sadd.s32 s2, s16  }
0x8e: {  	[smem:$0x3F99] =	sst s2  }
0x8f: {  	_ = 	snop  }
0x90: {  	(tm) =	ssettm $0x1  }
0x91: {  	s17 =	sld [smem:$0x3FFB];
	_ =	sdelay $0x3  }
0x92: {  	_ =	strace s17  }
0x93: {  	s2 =	sld [smem:$0x3FFC];
	_ =	sdelay $0x3  }
0x94: {  	_ =	strace s2  }
0x95: {  	s2 =	sld [smem:$0x3FFD];
	_ =	sdelay $0x3  }
0x96: {  	_ =	strace s2  }
0x97: {  	_ =	strace $0x8FFFFFFF  }
0x98: {  	s18 =	sld [smem:$0x3FDB];
	_ =	sdelay $0x1  }
0x99: {  	s19 =	simm.s32 $_scs_section_size  }
0x9a: {  	s4 =	simm.s32 $_size__tile_overlayer_lowered;
	s5 =	simm.s32 $_tile_overlayer_lowered  }
0x9b: {  	s22 =	simm.s32 $0x1BFF;
	s21 =	sshll.u32 s5, $0x1;
	s2 =	sadd.s32 s19, s18  }
0x9c: {  	s6 =	simm.s32 $0x0;
	s20 =	sshll.u32 s4, $0x1;
	s4 =	sadd.s32 s21, s2  }
0x9d: {  	[timem:s6], [sflag:s22] =	dma.local [hbm:s4], s20  }
0x9e: {  	_ =	swait.ge [sflag:s22], s20  }
0x9f: {  	s3 =	ssub.s32 $0x0, s20;
	[sflag:s22] =	ssyncset.done $0x0  }
0xa0: {  	[sflag:s22] =	ssyncadd.s32 s3;
	_ =	sdelay $0x1  }
0xa1: {  	s23 =	simm.s32 $0x1B8B  }
0xa2: {  	_ =	swait.ge [sflag:s23], $0x1  }
0xa3: {  	[sflag:s23] =	ssyncset.done $0x0  }
0xa4: {  	s25 =	simm.s32 $0x1B8E;
	s24 =	sld [smem:$0x3FFE];
	[sflag:s23] =	ssyncadd.s32 $0xFFFFFFFF  }
0xa5: {  	s26 =	simm.s32 $execute0_lowered;
	[smem:$0x3FD2] =	sst s25  }
0xa6: {  	s4 =	sshll.u32 s26, $0x1;
	_ =	strace $0x8000004C;
	[dreg:$0x1] =	wrdreg $0xFFFFFFFF  }
0xa7: {  	s28 =	simm.s32 $_size_execute0_lowered;
	s2 =	sadd.s32 s2, s4;
	[dreg:$0x0] =	wrdreg $0x0  }
0xa8: {  	s4 =	sshll.u32 s28, $0x1;
	[dreg:$0x2] =	wrdreg s2  }
0xa9: {  	[dreg:$0x3] =	wrdreg s4  }
0xaa: {  	[dreg:$0x4] =	wrdreg $0xC0  }
0xab: {  	_ =	task [dreg:s6], $0x5FFFF  }
0xac: {  	[dreg:$0x1] =	wrdreg $0xFFFFFFFF  }
0xad: {  	[dreg:$0x0] =	wrdreg $0x60  }
0xae: {  	[dreg:$0x2] =	wrdreg s24  }
0xaf: {  	[dreg:$0x3] =	wrdreg $0x90000  }
0xb0: {  	[dreg:$0x4] =	wrdreg $0x9  }
0xb1: {  	_ =	task.clear_ibuf [dreg:s6], $0x5FFFF;
	_ =	strace $0x9000004C  }
0xb2: {  	s29 =	simm.s32 $0x9;
	_ =	strace $0x8000004E  }
0xb3: {  	_ =	swait.ge [sflag:s29], $0x1  }
0xb4: {  	[sflag:s29] =	ssyncadd.s32 $0xFFFFFFFF  }
0xb5: {  	_ =	strace $0x9000004E  }
0xb6: {  	_ =	sfence  }
0xb7: {  	s30 =	sld [smem:$0x0];
	_ =	sdelay $0x2  }
0xb8: {  	s31 =	sshll.u32 s1, $0xD;
	s1 =	sshrl.u32 s1, $0x2  }
0xb9: {  	s3 =	sand.u32 $0x4000, s31;
	s1 =	sadd.s32 s1, s30  }
0xba: {  	s0 =	sor.u32 s3, s0;
	s1 =	sshll.u32 s1, $0x11  }
0xbb: {  	s0 =	sor.u32 s1, s0  }
0xbc: {  	s0 =	sadd.s32 $0x8F2B, s0  }
0xbd: {  	[sflag:s0] =	ssyncadd.remote.s32 $0x1  }
0xbe: {  	_ =	sfence.sel $0xFFFF  }
0xbf: {  	[dreg:$0x0] =	wrdreg $0xFFFFFFFF;
	(pc) =	sbr.abs _section_cstart, $3  }
0xc0: {  	[dreg:$0x1] =	wrdreg $0xFFFFFFFF  }
0xc1: {  	_ =	task.clear_ibuf [dreg:s6], $0x2FFFF;
	_ =	strace $0x9FFFFFFF  }
0xc2: {  	(tm) =	ssettm $0x7FFFFFFF  }
0xc3: {  	_ =	shalt  }
tec
execute0_lowered:
.L_overlay_start_1:
0x0: {  	(tag) =	ssettag $0x1  }
0x1: {  	s0 =	srdreg.scid;
	s5 =	rddreg [dreg:$0x0]  }
0x2: {  	s2 =	rddreg [dreg:$0x1];
	s1 =	stileid.u32  }
0x3: {  	s3 =	simm.s32 $0x0;
	s17 =	simm.s32 $0x5000;
	s18 =	simm.s32 $0x1  }
0x4: {  	s19 =	simm.s32 $0x2800;
	s6 =	sand.u32 $0x1, s0;
	s0 =	rddreg [dreg:$0x2]  }
0x5: {  	s20 =	simm.s32 $0x7D;
	[smem:$0x7FF] =	sst s3;
	s11 =	smul.u32 $0x13800, s1  }
0x6: {  	s10 =	sadd.s32 $0x43A00, s5;
	s31 =	smul.u32 $0x4E000, s1;
	p0 =	sne.s32 s1, $0xF  }
0x7: {  	s4 =	sshll.u32 s6, $0x4;
	_ =	strace $0x8000004D;
	s8 =	ssub.s32 $0x2, s6  }
0x8: {  	s9 =	smul.u32 $0x138800, s6;
	s4 =	sor.u32 s1, s4;
	s30 =	sshrl.u32 s8, $0x1  }
0x9: {  	s13 =	sshrl.u32 s31, $0x2;
	s7 =	smul.u32 $0x500, s4;
	s4 =	sadd.s32 $0x1C800, s5  }
0xa: {  	s11 =	sadd.s32 s11, s9;
	s14 =	sshrl.u32 s9, $0x3;
	s9 =	sadd.s32 s13, s2  }
0xb: {  	s12 =	ssub.s32 s8, s30;
	s11 =	sshrl.u32 s11, $0x3;
	s13 =	sadd.s32 $0x6800, s9  }
0xc: {  	s15 =	sadd.s32 $0xD000, s9;
	s16 =	sadd.s32 $0x10400, s9;
	s7 =	sadd.s32 s7, s5  }
0xd: {  	s5 =	sadd.s32 $0x138000, s2;
	s8 =	sadd.s32 s10, s11;
	s10 =	sadd.s32 s10, s14  }
0xe: {  	s11 =	smax.u32 s12, $0x1;
	s12 =	sadd.s32 $0x3400, s9;
	s14 =	sadd.s32 $0x9C00, s9  }
0xf: {  	v0 =	vimm.f32 $0.0e+00;
	s6 =	sadd.s32 $0x8800, s7;
	s7 =	sadd.s32 $0x12800, s7;
	s10 =	sadd.s32 $0x27000, s10  }
.LBB2_1:
0x10: {  	s21 =	simm.s32 $0x70;
	s22 =	simm.s32 $0x3C0  }
.LBB2_2:
0x11: {  	p1 =	sne.s32 s22, $0xCFC0;
	[tilespmem:s21+$0x5000] =	vst v0  }
0x12: {  	[tilespmem:s21+$0x4F90] =	vst v0  }
0x13: {  	[tilespmem:s21+$0x4FA0] =	vst v0  }
.Ltmp0:
0x14: {  	[tilespmem:s21+$0x4FB0] =	vst v0;
	(pc) =	sbr.rel @p1 .LBB2_2-.Ltmp0, $4  }
0x15: {  	[tilespmem:s21+$0x4FC0] =	vst v0  }
0x16: {  	[tilespmem:s21+$0x4FD0] =	vst v0  }
0x17: {  	[tilespmem:s21+$0x4FE0] =	vst v0  }
0x18: {  	[tilespmem:s21+$0x4FF0] =	vst v0;
	s21 =	sshra.s32 s22, $0x2;
	s22 =	sadd.s32 $0x200, s22  }
0x19: {  	[tilespmem:s21+$0x5000] =	vst v0  }
0x1a: {  	[tilespmem:s21+$0x4F90] =	vst v0  }
0x1b: {  	[tilespmem:s21+$0x4FA0] =	vst v0  }
0x1c: {  	[tilespmem:s21+$0x4FB0] =	vst v0  }
0x1d: {  	[tilespmem:s21+$0x4FC0] =	vst v0  }
0x1e: {  	[tilespmem:s21+$0x4FD0] =	vst v0  }
0x1f: {  	[tilespmem:s21+$0x4FE0] =	vst v0  }
0x20: {  	[tilespmem:s21+$0x4FF0] =	vst v0  }
0x21: {  	[spmem:s9] =	stream.linear.scatter [tilespmem:s17], [sflag:$0x1], $0x3400, $0x38;
	[tilespmem:$0x1C880] =	vst v63  }
0x22: {  	_ =	swait.ge [sflag:s18], $0x3400  }
0x23: {  	[sflag:s18] =	ssyncset.done $0x0  }
0x24: {  	[sflag:s18] =	ssyncadd.s32 $0xFFFFCC00  }
0x25: {  	[spmem:s12] =	stream.linear.scatter [tilespmem:s17], [sflag:$0x1], $0x3400, $0x38;
	[tilespmem:$0x1C880] =	vst v63  }
0x26: {  	_ =	swait.ge [sflag:s18], $0x3400  }
0x27: {  	[sflag:s18] =	ssyncset.done $0x0  }
0x28: {  	[sflag:s18] =	ssyncadd.s32 $0xFFFFCC00  }
0x29: {  	[spmem:s13] =	stream.linear.scatter [tilespmem:s17], [sflag:$0x1], $0x3400, $0x38;
	[tilespmem:$0x1C880] =	vst v63  }
0x2a: {  	_ =	swait.ge [sflag:s18], $0x3400  }
0x2b: {  	[sflag:s18] =	ssyncset.done $0x0  }
0x2c: {  	[sflag:s18] =	ssyncadd.s32 $0xFFFFCC00  }
0x2d: {  	[spmem:s14] =	stream.linear.scatter [tilespmem:s17], [sflag:$0x1], $0x3400, $0x38;
	[tilespmem:$0x1C880] =	vst v63  }
0x2e: {  	_ =	swait.ge [sflag:s18], $0x3400  }
0x2f: {  	[sflag:s18] =	ssyncset.done $0x0  }
0x30: {  	[sflag:s18] =	ssyncadd.s32 $0xFFFFCC00  }
0x31: {  	[spmem:s15] =	stream.linear.scatter [tilespmem:s17], [sflag:$0x1], $0x3400, $0x38;
	[tilespmem:$0x1C880] =	vst v63  }
0x32: {  	_ =	swait.ge [sflag:s18], $0x3400  }
0x33: {  	[sflag:s18] =	ssyncset.done $0x0  }
0x34: {  	[sflag:s18] =	ssyncadd.s32 $0xFFFFCC00  }
0x35: {  	[spmem:s16] =	stream.linear.scatter [tilespmem:s17], [sflag:$0x1], $0x3400, $0x38;
	[tilespmem:$0x1C880] =	vst v63  }
0x36: {  	_ =	swait.ge [sflag:s18], $0x3400  }
0x37: {  	[sflag:s18] =	ssyncset.done $0x0  }
0x38: {  	s21 =	simm.s32 @!p0 $0x5000;
	[sflag:s18] =	ssyncadd.s32 $0xFFFFCC00  }
0x39: {  	[spmem:s5] =	stream.linear.scatter @!p0 [tilespmem:s21], [sflag:$0x1], $0x800, $0x38;
	[tilespmem:$0x1C880] =	vst v63  }
0x3a: {  	s21 =	simm.s32 @!p0 $0x1  }
0x3b: {  	_ =	swait.ge @!p0 [sflag:s21], $0x800  }
0x3c: {  	[sflag:s21] =	ssyncset.done @!p0 $0x0  }
0x3d: {  	[sflag:s21] =	ssyncadd.s32 @!p0 $0xFFFFF800  }
0x3e: {  	s29 =	simm.s32 $0x0;
	[bflag:$0x0] =	sbarrier.arrive $0xFFFF  }
0x3f: {  	[tilespmem:s29], [sflag:$0x1] =	stream.linear.gather [hbm4b:s6+s29], $0x2800, $0x38;
	[tilespmem:$0x1C880] =	vst v63  }
0x40: {  	_ =	swait.ge [sflag:s18], $0x2800  }
0x41: {  	[sflag:s18] =	ssyncset.done $0x0  }
0x42: {  	[sflag:s18] =	ssyncadd.s32 $0xFFFFD800  }
0x43: {  	[tilespmem:s19], [sflag:$0x1] =	stream.linear.gather [hbm4b:s7+s29], $0x2800, $0x38;
	[tilespmem:$0x1C880] =	vst v63  }
0x44: {  	_ =	swait.ge [sflag:s18], $0x2800  }
0x45: {  	[sflag:s18] =	ssyncset.done $0x0  }
0x46: {  	s30 =	simm.s32 $0x0;
	[sflag:s18] =	ssyncadd.s32 $0xFFFFD800  }
0x47: {  	[tilespmem:s17], [sflag:$0x1] =	stream.indirect.gather [hbm4b:s4+s20], $0x80, s30, s20, $0xb8;
	[tilespmem:$0x1C880] =	vst v63  }
0x48: {  	_ =	swait.ge [sflag:s18], $0x3E80  }
0x49: {  	[sflag:s18] =	ssyncset.done $0x0  }
0x4a: {  	s31 =	simm.s32 $0x2800;
	[sflag:s18] =	ssyncadd.s32 $0xFFFFC180  }
0x4b: {  	[spmem:s2] =	stream.indirect.scatter.add.f32 [tilespmem:s17], [sflag:$0x1], $0x80, s31, s20, $0xb8;
	[tilespmem:$0x1C880] =	vst v63  }
0x4c: {  	_ =	swait.ge [sflag:s18], $0x3E80  }
0x4d: {  	s22 =	simm.s32 $0x400;
	s21 =	simm.s32 $0x200;
	[sflag:s18] =	ssyncset.done $0x0  }
.LBB2_4:
0x4e: {  	s23 =	sshra.s32 s21, $0x2  }
0x4f: {  	[sflag:s18] =	ssyncadd.s32 $0xFFFFC180;
	s21 =	smov.u32 s22;
	s24 =	sadd.s32 $0x200, s22  }
0x50: {  	[tilespmem:s17], [sflag:$0x1] =	stream.indirect.gather [hbm4b:s4+s20], $0x80, s23, s20, $0xb8;
	[tilespmem:$0x1C880] =	vst v63  }
0x51: {  	p1 =	sne.s32 s22, $0x9E00;
	_ =	swait.ge [sflag:s18], $0x3E80  }
.Ltmp1:
0x52: {  	[sflag:s18] =	ssyncset.done $0x0;
	(pc) =	sbr.rel @p1 .LBB2_4-.Ltmp1, $4  }
0x53: {  	s22 =	sadd.s32 $0x2800, s23;
	[sflag:s18] =	ssyncadd.s32 $0xFFFFC180  }
0x54: {  	[spmem:s2] =	stream.indirect.scatter.add.f32 [tilespmem:s17], [sflag:$0x1], $0x80, s22, s20, $0xb8;
	[tilespmem:$0x1C880] =	vst v63  }
0x55: {  	_ =	swait.ge [sflag:s18], $0x3E80  }
0x56: {  	s22 =	smov.u32 s24;
	[sflag:s18] =	ssyncset.done $0x0  }
0x57: {  	s21 =	sshra.s32 s21, $0x2;
	[sflag:s18] =	ssyncadd.s32 $0xFFFFC180  }
0x58: {  	[tilespmem:s17], [sflag:$0x1] =	stream.indirect.gather [hbm4b:s4+s20], $0x80, s21, s20, $0xb8;
	[tilespmem:$0x1C880] =	vst v63  }
0x59: {  	_ =	swait.ge [sflag:s18], $0x3E80  }
0x5a: {  	[sflag:s18] =	ssyncset.done $0x0  }
0x5b: {  	s21 =	sadd.s32 $0x2800, s21;
	[sflag:s18] =	ssyncadd.s32 $0xFFFFC180  }
0x5c: {  	[spmem:s2] =	stream.indirect.scatter.add.f32 [tilespmem:s17], [sflag:$0x1], $0x80, s21, s20, $0xb8;
	[tilespmem:$0x1C880] =	vst v63  }
0x5d: {  	_ =	swait.ge [sflag:s18], $0x3E80  }
0x5e: {  	[sflag:s18] =	ssyncset.done $0x0  }
0x5f: {  	s31 =	sshll.u32 s1, $0x6;
	[sflag:s18] =	ssyncadd.s32 $0xFFFFC180  }
0x60: {  	s22 =	sshrl.u32 s9, $0x3;
	s21 =	sor.u32 $0x1C01, s31;
	[bflag:$0x0] =	sbarrier.arrive $0xFFFF  }
0x61: {  	[hbm:s8], [sflag:s21] =	dma.local [spmem:s22], $0x2700  }
0x62: {  	_ =	swait.ge [sflag:s18], $0x2700  }
0x63: {  	s3 =	sadd.s32 $0x1, s3;
	[sflag:s18] =	ssyncset.done $0x0  }
0x64: {  	p1 =	sne.s32 s3, s11;
	s22 =	sshrl.u32 @!p0 s5, $0x3;
	[sflag:s18] =	ssyncadd.s32 $0xFFFFD900  }
0x65: {  	[hbm:s10], [sflag:s21] =	dma.local @!p0 [spmem:s22], $0x100  }
.Ltmp2:
0x66: {  	_ = 	snop;
	(pc) =	sbr.rel @p1 .LBB2_1-.Ltmp2, $4  }
0x67: {  	s21 =	simm.s32 @!p0 $0x1  }
0x68: {  	_ =	swait.ge @!p0 [sflag:s21], $0x100  }
0x69: {  	[sflag:s21] =	ssyncset.done @!p0 $0x0  }
0x6a: {  	[sflag:s21] =	ssyncadd.s32 @!p0 $0xFFFFFF00  }
0x6b: {  	_ =	sfence.sel $0x180000  }
0x6c: {  	[bflag:$0x0] =	sbarrier.arrive $0xFFFF  }
0x6d: {  	p0 =	sne.s32 s1, $0x0;
	_ =	strace $0x9000004D  }
0x6e: {  	s0 =	sadd.s32 @!p0 $0x100000, s0;
	[bflag:$0x2] =	sbarrier.arrive $0xFFFF  }
0x6f: {  	[sflag:s0] =	ssyncadd.tile.s32 @!p0 $0x1;
	_ =	shalt  }
.Lfunc_end2:
_tile_overlayer_lowered:
.L_overlay_start_2:
0x70: {  	(tag) =	ssettag $0x2  }
0x71: {  	s0 =	rddreg [dreg:$0x0];
	s2 =	stileid.u32  }
0x72: {  	s1 =	rddreg [dreg:$0x1];
	p0 =	sne.s32 s2, $0x0  }
0x73: {  	s3 =	rddreg [dreg:$0x2];
	[bflag:$0x3] =	sbarrier.arrive $0xFFFF;
	s2 =	simm.s32 @!p0 $0x1C01  }
0x74: {  	[timem:s3], [sflag:s2] =	dma.local @!p0 [hbm:s0], s1  }
0x75: {  	s0 =	simm.s32 @!p0 $0x1  }
0x76: {  	_ =	swait.ge @!p0 [sflag:s0], s1  }
0x77: {  	s1 =	ssub.s32 @!p0 $0x0, s1;
	[sflag:s0] =	ssyncset.done @!p0 $0x0  }
0x78: {  	[sflag:s0] =	ssyncadd.s32 @!p0 s1  }
0x79: {  	[bflag:$0x3] =	sbarrier.arrive $0xFFFF  }
0x7a: {  	_ =	shalt  }

// kernel: kernel.21.cloned.1.call-start
scs
__scs_entry_jumppad:
0x0: {  	(pc) =	sbr.rel $0x88, $3  }
0x1: {  	(tag) =	ssettag $0x0;
	lr =	simm.s32 $0x1  }
0x2: {  	[smem:$0x3F72] =	sst lr;
	_ =	strace $0xD0000000  }
0x3: {  	_ = 	snop  }
0x4: {  	_ = 	snop  }
0x5: {  	_ = 	snop  }
0x6: {  	_ = 	snop  }
0x7: {  	_ = 	snop  }
__scs_overlays_trampoline_lowered:
0x8: {  	[smem:$0x3F81] =	sst s0  }
0x9: {  	[smem:$0x3F82] =	sst s1  }
0xa: {  	[smem:$0x3F83] =	sst s2  }
0xb: {  	[smem:$0x3F84] =	sst s3  }
0xc: {  	[smem:$0x3F85] =	sst s4  }
0xd: {  	[smem:$0x3F86] =	sst s5  }
0xe: {  	[smem:$0x3F87] =	sst s6  }
0xf: {  	[smem:$0x3F88] =	sst s7  }
0x10: {  	[smem:$0x3F89] =	sst s8  }
0x11: {  	[smem:$0x3F8A] =	sst s9;
	s0 =	simm.s32 @!p0 $0x0  }
0x12: {  	s1 =	sld [smem:$0x3F70];
	s0 =	simm.s32 @p0 $0x1  }
0x13: {  	[smem:$0x3F8B] =	sst s0;
	s0 =	simm.s32 @!p1 $0x0  }
0x14: {  	s2 =	sld [smem:$0x3F6F];
	s0 =	simm.s32 @p1 $0x1  }
0x15: {  	[smem:$0x3F8C] =	sst s0;
	s0 =	simm.s32 @!p2 $0x0  }
0x16: {  	s3 =	sld [smem:$0x3FDB];
	s0 =	simm.s32 @p2 $0x1  }
0x17: {  	s4 =	simm.s32 $0x1BF5;
	[smem:$0x3F8E] =	sst s0  }
0x18: {  	s0 =	sld [smem:$0x3F71];
	_ =	swait.ge [sflag:s4], $0x0  }
0x19: {  	s7 =	sld [smem:$0x3F72]  }
0x1a: {  	s8 =	sadd.s32 $0xFFFFE003, lr  }
0x1b: {  	s9 =	sadd.s32 $0xFFFFFEF7, lr;
	s5 =	simm.s32 $0xFFFFFFFF;
	p2 =	slt.u32 s8, $0xFFFFF086  }
0x1c: {  	p1 =	slt.u32 s9, $0xF7A;
	s5 =	simm.s32 @!p2 $0x0  }
0x1d: {  	s5 =	simm.s32 @p1 $0x1;
	p0 =	seq.s32 s7, s2  }
0x1e: {  	s7 =	smul.u32 @!p0 $0xF7A, s2;
	p2 =	seq.s32 @!p0 s5, $0x0  }
0x1f: {  	s9 =	smul.u32 $0xF7A, s1;
	s8 =	simm.s32 @!p0 $0x1BF5;
	p2 =	por !p2, p0  }
0x20: {  	[sflag:s8] =	ssyncset.s32 @!p0 $0xFFFFF086;
	s6 =	sadd.s32 @!p0 s3, s7;
	s7 =	simm.s32 @!p0 $0x108  }
0x21: {  	s3 =	sadd.s32 s3, s9;
	s6 =	sadd.s32 @!p0 $0x88, s6;
	s7 =	simm.s32 @p2 $0x1082  }
0x22: {  	[simem:s7], [sflag:s8] =	dma.local @!p0 [hbm:s6], $0xF7A  }
0x23: {  	s9 =	sor.u32 $0xD0000000, s2;
	s6 =	simm.s32 $0x108;
	_ =	swait.ge @!p0 [sflag:s8], $0x0  }
0x24: {  	s3 =	sadd.s32 $0x88, s3;
	s6 =	simm.s32 @!p1 $0x1082;
	[sflag:s4] =	ssyncset.s32 $0xFFFFF086  }
0x25: {  	[simem:s6], [sflag:s4] =	dma.local [hbm:s3], $0xF7A  }
0x26: {  	[smem:$0x3F72] =	sst s1;
	(tag) =	ssettag s2;
	_ =	strace s9  }
0x27: {  	s1 =	sld [smem:$0x3F82]  }
0x28: {  	s2 =	sld [smem:$0x3F83]  }
0x29: {  	s4 =	sld [smem:$0x3F85]  }
0x2a: {  	p0 =	seq.s32 s5, $0x0;
	s5 =	sld [smem:$0x3F86]  }
0x2b: {  	s6 =	sld [smem:$0x3F87]  }
0x2c: {  	s7 =	sld [smem:$0x3F88]  }
0x2d: {  	s3 =	simm.s32 $0x108;
	s8 =	sld [smem:$0x3F89]  }
0x2e: {  	s3 =	simm.s32 @!p0 $0x1082;
	s9 =	sld [smem:$0x3F8A]  }
0x2f: {  	lr =	sadd.s32 s0, s3;
	s0 =	sld [smem:$0x3F81]  }
0x30: {  	s3 =	sld [smem:$0x3F84]  }
0x31: {  	[smem:$0x3F8D] =	sst s10  }
0x32: {  	s10 =	sld [smem:$0x3F8B];
	_ =	sdelay $0x3  }
0x33: {  	p0 =	seq.s32 s10, $0x1;
	s10 =	sld [smem:$0x3F8D];
	_ =	sdelay $0x3  }
0x34: {  	[smem:$0x3F8D] =	sst s10  }
0x35: {  	s10 =	sld [smem:$0x3F8C];
	_ =	sdelay $0x3  }
0x36: {  	p1 =	seq.s32 s10, $0x1;
	s10 =	sld [smem:$0x3F8D];
	_ =	sdelay $0x3  }
0x37: {  	[smem:$0x3F8D] =	sst s10  }
0x38: {  	s10 =	sld [smem:$0x3F8E]  }
0x39: {  	_ = 	snop;
	(pc) =	sbr.ind lr, $3  }
0x3a: {  	_ = 	snop  }
0x3b: {  	_ = 	snop  }
0x3c: {  	p2 =	seq.s32 s10, $0x1;
	s10 =	sld [smem:$0x3F8D]  }
0x3d: {  	_ =	shalt  }
0x3e: {  	_ =	shalt  }
0x3f: {  	_ =	shalt  }
0x40: {  	_ =	shalt  }
0x41: {  	_ =	shalt  }
0x42: {  	_ =	shalt  }
0x43: {  	_ =	shalt  }
0x44: {  	_ =	shalt  }
0x45: {  	_ =	shalt  }
0x46: {  	_ =	shalt  }
0x47: {  	_ =	shalt  }
0x48: {  	_ =	shalt  }
0x49: {  	_ =	shalt  }
0x4a: {  	_ =	shalt  }
0x4b: {  	_ =	shalt  }
0x4c: {  	_ =	shalt  }
0x4d: {  	_ =	shalt  }
0x4e: {  	_ =	shalt  }
0x4f: {  	_ =	shalt  }
0x50: {  	_ =	shalt  }
0x51: {  	_ =	shalt  }
0x52: {  	_ =	shalt  }
0x53: {  	_ =	shalt  }
0x54: {  	_ =	shalt  }
0x55: {  	_ =	shalt  }
0x56: {  	_ =	shalt  }
0x57: {  	_ =	shalt  }
0x58: {  	_ =	shalt  }
0x59: {  	_ =	shalt  }
0x5a: {  	_ =	shalt  }
0x5b: {  	_ =	shalt  }
0x5c: {  	_ =	shalt  }
0x5d: {  	_ =	shalt  }
0x5e: {  	_ =	shalt  }
0x5f: {  	_ =	shalt  }
0x60: {  	_ =	shalt  }
0x61: {  	_ =	shalt  }
0x62: {  	_ =	shalt  }
0x63: {  	_ =	shalt  }
0x64: {  	_ =	shalt  }
0x65: {  	_ =	shalt  }
0x66: {  	_ =	shalt  }
0x67: {  	_ =	shalt  }
0x68: {  	_ =	shalt  }
0x69: {  	_ =	shalt  }
0x6a: {  	_ =	shalt  }
0x6b: {  	_ =	shalt  }
0x6c: {  	_ =	shalt  }
0x6d: {  	_ =	shalt  }
0x6e: {  	_ =	shalt  }
0x6f: {  	_ =	shalt  }
0x70: {  	_ =	shalt  }
0x71: {  	_ =	shalt  }
0x72: {  	_ =	shalt  }
0x73: {  	_ =	shalt  }
0x74: {  	_ =	shalt  }
0x75: {  	_ =	shalt  }
0x76: {  	_ =	shalt  }
0x77: {  	_ =	shalt  }
0x78: {  	_ =	shalt  }
0x79: {  	_ =	shalt  }
0x7a: {  	_ =	shalt  }
0x7b: {  	_ =	shalt  }
0x7c: {  	_ =	shalt  }
0x7d: {  	_ =	shalt  }
0x7e: {  	_ =	shalt  }
0x7f: {  	_ =	shalt  }
0x80: {  	_ =	shalt  }
0x81: {  	_ =	shalt  }
0x82: {  	_ =	shalt  }
0x83: {  	_ =	shalt  }
0x84: {  	_ =	shalt  }
0x85: {  	_ =	shalt  }
0x86: {  	_ =	shalt  }
0x87: {  	_ =	shalt  }
.Lfunc_end0:
.L_simem_size_0:
called_computation.3_lowered:
.L_overlay_start_0:
0x88: {  	s2 =	sld [smem:$0x3FD9]  }
0x89: {  	s3 =	sld [smem:$0x3FFE];
	_ =	sdelay $0x1  }
0x8a: {  	s1 =	srdreg.scid  }
0x8b: {  	s0 =	sand.u32 $0x1, s1  }
0x8c: {  	s16 =	sshll.u32 s0, $0xA;
	s2 =	sadd.s32 s3, s2  }
0x8d: {  	s2 =	sadd.s32 s2, s16  }
0x8e: {  	[smem:$0x3F99] =	sst s2  }
0x8f: {  	_ = 	snop  }
0x90: {  	(tm) =	ssettm $0x1  }
0x91: {  	s17 =	sld [smem:$0x3FFB];
	_ =	sdelay $0x3  }
0x92: {  	_ =	strace s17  }
0x93: {  	s2 =	sld [smem:$0x3FFC];
	_ =	sdelay $0x3  }
0x94: {  	_ =	strace s2  }
0x95: {  	s2 =	sld [smem:$0x3FFD];
	_ =	sdelay $0x3  }
0x96: {  	_ =	strace s2  }
0x97: {  	_ =	strace $0x8FFFFFFF  }
0x98: {  	s18 =	sld [smem:$0x3FDB];
	_ =	sdelay $0x1  }
0x99: {  	s19 =	simm.s32 $_scs_section_size  }
0x9a: {  	s4 =	simm.s32 $_size__tile_overlayer_lowered;
	s5 =	simm.s32 $_tile_overlayer_lowered  }
0x9b: {  	s22 =	simm.s32 $0x1BFF;
	s21 =	sshll.u32 s5, $0x1;
	s2 =	sadd.s32 s19, s18  }
0x9c: {  	s6 =	simm.s32 $0x0;
	s20 =	sshll.u32 s4, $0x1;
	s4 =	sadd.s32 s21, s2  }
0x9d: {  	[timem:s6], [sflag:s22] =	dma.local [hbm:s4], s20  }
0x9e: {  	_ =	swait.ge [sflag:s22], s20  }
0x9f: {  	s3 =	ssub.s32 $0x0, s20;
	[sflag:s22] =	ssyncset.done $0x0  }
0xa0: {  	[sflag:s22] =	ssyncadd.s32 s3;
	_ =	sdelay $0x1  }
0xa1: {  	s23 =	simm.s32 $0x1B8B  }
0xa2: {  	_ =	swait.ge [sflag:s23], $0x1  }
0xa3: {  	[sflag:s23] =	ssyncset.done $0x0  }
0xa4: {  	s25 =	simm.s32 $0x1B8E;
	s24 =	sld [smem:$0x3FFE];
	[sflag:s23] =	ssyncadd.s32 $0xFFFFFFFF  }
0xa5: {  	s26 =	simm.s32 $execute0_lowered;
	[smem:$0x3FD2] =	sst s25  }
0xa6: {  	s4 =	sshll.u32 s26, $0x1;
	_ =	strace $0x8000004F;
	[dreg:$0x1] =	wrdreg $0xFFFFFFFF  }
0xa7: {  	s28 =	simm.s32 $_size_execute0_lowered;
	s2 =	sadd.s32 s2, s4;
	[dreg:$0x0] =	wrdreg $0x0  }
0xa8: {  	s4 =	sshll.u32 s28, $0x1;
	[dreg:$0x2] =	wrdreg s2  }
0xa9: {  	[dreg:$0x3] =	wrdreg s4  }
0xaa: {  	[dreg:$0x4] =	wrdreg $0xC0  }
0xab: {  	_ =	task [dreg:s6], $0x5FFFF  }
0xac: {  	[dreg:$0x1] =	wrdreg $0xFFFFFFFF  }
0xad: {  	[dreg:$0x0] =	wrdreg $0x60  }
0xae: {  	[dreg:$0x2] =	wrdreg s24  }
0xaf: {  	[dreg:$0x3] =	wrdreg $0x90000  }
0xb0: {  	[dreg:$0x4] =	wrdreg $0x9  }
0xb1: {  	_ =	task.clear_ibuf [dreg:s6], $0x5FFFF;
	_ =	strace $0x9000004F  }
0xb2: {  	s29 =	simm.s32 $0x9;
	_ =	strace $0x80000051  }
0xb3: {  	_ =	swait.ge [sflag:s29], $0x1  }
0xb4: {  	[sflag:s29] =	ssyncadd.s32 $0xFFFFFFFF  }
0xb5: {  	_ =	strace $0x90000051  }
0xb6: {  	_ =	sfence  }
0xb7: {  	s30 =	sld [smem:$0x0];
	_ =	sdelay $0x2  }
0xb8: {  	s31 =	sshll.u32 s1, $0xD;
	s1 =	sshrl.u32 s1, $0x2  }
0xb9: {  	s3 =	sand.u32 $0x4000, s31;
	s1 =	sadd.s32 s1, s30  }
0xba: {  	s0 =	sor.u32 s3, s0;
	s1 =	sshll.u32 s1, $0x11  }
0xbb: {  	s0 =	sor.u32 s1, s0  }
0xbc: {  	s0 =	sadd.s32 $0x8F2B, s0  }
0xbd: {  	[sflag:s0] =	ssyncadd.remote.s32 $0x1  }
0xbe: {  	_ =	sfence.sel $0xFFFF  }
0xbf: {  	[dreg:$0x0] =	wrdreg $0xFFFFFFFF;
	(pc) =	sbr.abs _section_cstart, $3  }
0xc0: {  	[dreg:$0x1] =	wrdreg $0xFFFFFFFF  }
0xc1: {  	_ =	task.clear_ibuf [dreg:s6], $0x2FFFF;
	_ =	strace $0x9FFFFFFF  }
0xc2: {  	(tm) =	ssettm $0x7FFFFFFF  }
0xc3: {  	_ =	shalt  }
tec
execute0_lowered:
.L_overlay_start_1:
0x0: {  	(tag) =	ssettag $0x1  }
0x1: {  	s0 =	srdreg.scid;
	s5 =	rddreg [dreg:$0x0]  }
0x2: {  	s2 =	rddreg [dreg:$0x1];
	s1 =	stileid.u32  }
0x3: {  	s3 =	simm.s32 $0x0;
	s17 =	simm.s32 $0x5000;
	s18 =	simm.s32 $0x1  }
0x4: {  	s19 =	simm.s32 $0x2800;
	s6 =	sand.u32 $0x1, s0;
	s0 =	rddreg [dreg:$0x2]  }
0x5: {  	s20 =	simm.s32 $0x7D;
	[smem:$0x7FF] =	sst s3;
	s11 =	smul.u32 $0x13800, s1  }
0x6: {  	s10 =	sadd.s32 $0x43A00, s5;
	s31 =	smul.u32 $0x4E000, s1;
	p0 =	sne.s32 s1, $0xF  }
0x7: {  	s4 =	sshll.u32 s6, $0x4;
	_ =	strace $0x80000050;
	s8 =	ssub.s32 $0x2, s6  }
0x8: {  	s9 =	smul.u32 $0x138800, s6;
	s4 =	sor.u32 s1, s4;
	s30 =	sshrl.u32 s8, $0x1  }
0x9: {  	s13 =	sshrl.u32 s31, $0x2;
	s7 =	smul.u32 $0x500, s4;
	s4 =	sadd.s32 $0x1C800, s5  }
0xa: {  	s11 =	sadd.s32 s11, s9;
	s14 =	sshrl.u32 s9, $0x3;
	s9 =	sadd.s32 s13, s2  }
0xb: {  	s12 =	ssub.s32 s8, s30;
	s11 =	sshrl.u32 s11, $0x3;
	s13 =	sadd.s32 $0x6800, s9  }
0xc: {  	s15 =	sadd.s32 $0xD000, s9;
	s16 =	sadd.s32 $0x10400, s9;
	s7 =	sadd.s32 s7, s5  }
0xd: {  	s5 =	sadd.s32 $0x138000, s2;
	s8 =	sadd.s32 s10, s11;
	s10 =	sadd.s32 s10, s14  }
0xe: {  	s11 =	smax.u32 s12, $0x1;
	s12 =	sadd.s32 $0x3400, s9;
	s14 =	sadd.s32 $0x9C00, s9  }
0xf: {  	v0 =	vimm.f32 $0.0e+00;
	s6 =	sadd.s32 $0x8800, s7;
	s7 =	sadd.s32 $0x12800, s7;
	s10 =	sadd.s32 $0x27000, s10  }
.LBB2_1:
0x10: {  	s21 =	simm.s32 $0x70;
	s22 =	simm.s32 $0x3C0  }
.LBB2_2:
0x11: {  	p1 =	sne.s32 s22, $0xCFC0;
	[tilespmem:s21+$0x5000] =	vst v0  }
0x12: {  	[tilespmem:s21+$0x4F90] =	vst v0  }
0x13: {  	[tilespmem:s21+$0x4FA0] =	vst v0  }
.Ltmp0:
0x14: {  	[tilespmem:s21+$0x4FB0] =	vst v0;
	(pc) =	sbr.rel @p1 .LBB2_2-.Ltmp0, $4  }
0x15: {  	[tilespmem:s21+$0x4FC0] =	vst v0  }
0x16: {  	[tilespmem:s21+$0x4FD0] =	vst v0  }
0x17: {  	[tilespmem:s21+$0x4FE0] =	vst v0  }
0x18: {  	[tilespmem:s21+$0x4FF0] =	vst v0;
	s21 =	sshra.s32 s22, $0x2;
	s22 =	sadd.s32 $0x200, s22  }
0x19: {  	[tilespmem:s21+$0x5000] =	vst v0  }
0x1a: {  	[tilespmem:s21+$0x4F90] =	vst v0  }
0x1b: {  	[tilespmem:s21+$0x4FA0] =	vst v0  }
0x1c: {  	[tilespmem:s21+$0x4FB0] =	vst v0  }
0x1d: {  	[tilespmem:s21+$0x4FC0] =	vst v0  }
0x1e: {  	[tilespmem:s21+$0x4FD0] =	vst v0  }
0x1f: {  	[tilespmem:s21+$0x4FE0] =	vst v0  }
0x20: {  	[tilespmem:s21+$0x4FF0] =	vst v0  }
0x21: {  	[spmem:s9] =	stream.linear.scatter [tilespmem:s17], [sflag:$0x1], $0x3400, $0x38;
	[tilespmem:$0x1C880] =	vst v63  }
0x22: {  	_ =	swait.ge [sflag:s18], $0x3400  }
0x23: {  	[sflag:s18] =	ssyncset.done $0x0  }
0x24: {  	[sflag:s18] =	ssyncadd.s32 $0xFFFFCC00  }
0x25: {  	[spmem:s12] =	stream.linear.scatter [tilespmem:s17], [sflag:$0x1], $0x3400, $0x38;
	[tilespmem:$0x1C880] =	vst v63  }
0x26: {  	_ =	swait.ge [sflag:s18], $0x3400  }
0x27: {  	[sflag:s18] =	ssyncset.done $0x0  }
0x28: {  	[sflag:s18] =	ssyncadd.s32 $0xFFFFCC00  }
0x29: {  	[spmem:s13] =	stream.linear.scatter [tilespmem:s17], [sflag:$0x1], $0x3400, $0x38;
	[tilespmem:$0x1C880] =	vst v63  }
0x2a: {  	_ =	swait.ge [sflag:s18], $0x3400  }
0x2b: {  	[sflag:s18] =	ssyncset.done $0x0  }
0x2c: {  	[sflag:s18] =	ssyncadd.s32 $0xFFFFCC00  }
0x2d: {  	[spmem:s14] =	stream.linear.scatter [tilespmem:s17], [sflag:$0x1], $0x3400, $0x38;
	[tilespmem:$0x1C880] =	vst v63  }
0x2e: {  	_ =	swait.ge [sflag:s18], $0x3400  }
0x2f: {  	[sflag:s18] =	ssyncset.done $0x0  }
0x30: {  	[sflag:s18] =	ssyncadd.s32 $0xFFFFCC00  }
0x31: {  	[spmem:s15] =	stream.linear.scatter [tilespmem:s17], [sflag:$0x1], $0x3400, $0x38;
	[tilespmem:$0x1C880] =	vst v63  }
0x32: {  	_ =	swait.ge [sflag:s18], $0x3400  }
0x33: {  	[sflag:s18] =	ssyncset.done $0x0  }
0x34: {  	[sflag:s18] =	ssyncadd.s32 $0xFFFFCC00  }
0x35: {  	[spmem:s16] =	stream.linear.scatter [tilespmem:s17], [sflag:$0x1], $0x3400, $0x38;
	[tilespmem:$0x1C880] =	vst v63  }
0x36: {  	_ =	swait.ge [sflag:s18], $0x3400  }
0x37: {  	[sflag:s18] =	ssyncset.done $0x0  }
0x38: {  	s21 =	simm.s32 @!p0 $0x5000;
	[sflag:s18] =	ssyncadd.s32 $0xFFFFCC00  }
0x39: {  	[spmem:s5] =	stream.linear.scatter @!p0 [tilespmem:s21], [sflag:$0x1], $0x800, $0x38;
	[tilespmem:$0x1C880] =	vst v63  }
0x3a: {  	s21 =	simm.s32 @!p0 $0x1  }
0x3b: {  	_ =	swait.ge @!p0 [sflag:s21], $0x800  }
0x3c: {  	[sflag:s21] =	ssyncset.done @!p0 $0x0  }
0x3d: {  	[sflag:s21] =	ssyncadd.s32 @!p0 $0xFFFFF800  }
0x3e: {  	s29 =	simm.s32 $0x0;
	[bflag:$0x0] =	sbarrier.arrive $0xFFFF  }
0x3f: {  	[tilespmem:s29], [sflag:$0x1] =	stream.linear.gather [hbm4b:s6+s29], $0x2800, $0x38;
	[tilespmem:$0x1C880] =	vst v63  }
0x40: {  	_ =	swait.ge [sflag:s18], $0x2800  }
0x41: {  	[sflag:s18] =	ssyncset.done $0x0  }
0x42: {  	[sflag:s18] =	ssyncadd.s32 $0xFFFFD800  }
0x43: {  	[tilespmem:s19], [sflag:$0x1] =	stream.linear.gather [hbm4b:s7+s29], $0x2800, $0x38;
	[tilespmem:$0x1C880] =	vst v63  }
0x44: {  	_ =	swait.ge [sflag:s18], $0x2800  }
0x45: {  	[sflag:s18] =	ssyncset.done $0x0  }
0x46: {  	s30 =	simm.s32 $0x0;
	[sflag:s18] =	ssyncadd.s32 $0xFFFFD800  }
0x47: {  	[tilespmem:s17], [sflag:$0x1] =	stream.indirect.gather [hbm4b:s4+s20], $0x80, s30, s20, $0xb8;
	[tilespmem:$0x1C880] =	vst v63  }
0x48: {  	_ =	swait.ge [sflag:s18], $0x3E80  }
0x49: {  	[sflag:s18] =	ssyncset.done $0x0  }
0x4a: {  	s31 =	simm.s32 $0x2800;
	[sflag:s18] =	ssyncadd.s32 $0xFFFFC180  }
0x4b: {  	[spmem:s2] =	stream.indirect.scatter.add.f32 [tilespmem:s17], [sflag:$0x1], $0x80, s31, s20, $0xb8;
	[tilespmem:$0x1C880] =	vst v63  }
0x4c: {  	_ =	swait.ge [sflag:s18], $0x3E80  }
0x4d: {  	s22 =	simm.s32 $0x400;
	s21 =	simm.s32 $0x200;
	[sflag:s18] =	ssyncset.done $0x0  }
.LBB2_4:
0x4e: {  	s23 =	sshra.s32 s21, $0x2  }
0x4f: {  	[sflag:s18] =	ssyncadd.s32 $0xFFFFC180;
	s21 =	smov.u32 s22;
	s24 =	sadd.s32 $0x200, s22  }
0x50: {  	[tilespmem:s17], [sflag:$0x1] =	stream.indirect.gather [hbm4b:s4+s20], $0x80, s23, s20, $0xb8;
	[tilespmem:$0x1C880] =	vst v63  }
0x51: {  	p1 =	sne.s32 s22, $0x9E00;
	_ =	swait.ge [sflag:s18], $0x3E80  }
.Ltmp1:
0x52: {  	[sflag:s18] =	ssyncset.done $0x0;
	(pc) =	sbr.rel @p1 .LBB2_4-.Ltmp1, $4  }
0x53: {  	s22 =	sadd.s32 $0x2800, s23;
	[sflag:s18] =	ssyncadd.s32 $0xFFFFC180  }
0x54: {  	[spmem:s2] =	stream.indirect.scatter.add.f32 [tilespmem:s17], [sflag:$0x1], $0x80, s22, s20, $0xb8;
	[tilespmem:$0x1C880] =	vst v63  }
0x55: {  	_ =	swait.ge [sflag:s18], $0x3E80  }
0x56: {  	s22 =	smov.u32 s24;
	[sflag:s18] =	ssyncset.done $0x0  }
0x57: {  	s21 =	sshra.s32 s21, $0x2;
	[sflag:s18] =	ssyncadd.s32 $0xFFFFC180  }
0x58: {  	[tilespmem:s17], [sflag:$0x1] =	stream.indirect.gather [hbm4b:s4+s20], $0x80, s21, s20, $0xb8;
	[tilespmem:$0x1C880] =	vst v63  }
0x59: {  	_ =	swait.ge [sflag:s18], $0x3E80  }
0x5a: {  	[sflag:s18] =	ssyncset.done $0x0  }
0x5b: {  	s21 =	sadd.s32 $0x2800, s21;
	[sflag:s18] =	ssyncadd.s32 $0xFFFFC180  }
0x5c: {  	[spmem:s2] =	stream.indirect.scatter.add.f32 [tilespmem:s17], [sflag:$0x1], $0x80, s21, s20, $0xb8;
	[tilespmem:$0x1C880] =	vst v63  }
0x5d: {  	_ =	swait.ge [sflag:s18], $0x3E80  }
0x5e: {  	[sflag:s18] =	ssyncset.done $0x0  }
0x5f: {  	s31 =	sshll.u32 s1, $0x6;
	[sflag:s18] =	ssyncadd.s32 $0xFFFFC180  }
0x60: {  	s22 =	sshrl.u32 s9, $0x3;
	s21 =	sor.u32 $0x1C01, s31;
	[bflag:$0x0] =	sbarrier.arrive $0xFFFF  }
0x61: {  	[hbm:s8], [sflag:s21] =	dma.local [spmem:s22], $0x2700  }
0x62: {  	_ =	swait.ge [sflag:s18], $0x2700  }
0x63: {  	s3 =	sadd.s32 $0x1, s3;
	[sflag:s18] =	ssyncset.done $0x0  }
0x64: {  	p1 =	sne.s32 s3, s11;
	s22 =	sshrl.u32 @!p0 s5, $0x3;
	[sflag:s18] =	ssyncadd.s32 $0xFFFFD900  }
0x65: {  	[hbm:s10], [sflag:s21] =	dma.local @!p0 [spmem:s22], $0x100  }
.Ltmp2:
0x66: {  	_ = 	snop;
	(pc) =	sbr.rel @p1 .LBB2_1-.Ltmp2, $4  }
0x67: {  	s21 =	simm.s32 @!p0 $0x1  }
0x68: {  	_ =	swait.ge @!p0 [sflag:s21], $0x100  }
0x69: {  	[sflag:s21] =	ssyncset.done @!p0 $0x0  }
0x6a: {  	[sflag:s21] =	ssyncadd.s32 @!p0 $0xFFFFFF00  }
0x6b: {  	_ =	sfence.sel $0x180000  }
0x6c: {  	[bflag:$0x0] =	sbarrier.arrive $0xFFFF  }
0x6d: {  	p0 =	sne.s32 s1, $0x0;
	_ =	strace $0x90000050  }
0x6e: {  	s0 =	sadd.s32 @!p0 $0x100000, s0;
	[bflag:$0x2] =	sbarrier.arrive $0xFFFF  }
0x6f: {  	[sflag:s0] =	ssyncadd.tile.s32 @!p0 $0x1;
	_ =	shalt  }
.Lfunc_end2:
_tile_overlayer_lowered:
.L_overlay_start_2:
0x70: {  	(tag) =	ssettag $0x2  }
0x71: {  	s0 =	rddreg [dreg:$0x0];
	s2 =	stileid.u32  }
0x72: {  	s1 =	rddreg [dreg:$0x1];
	p0 =	sne.s32 s2, $0x0  }
0x73: {  	s3 =	rddreg [dreg:$0x2];
	[bflag:$0x3] =	sbarrier.arrive $0xFFFF;
	s2 =	simm.s32 @!p0 $0x1C01  }
0x74: {  	[timem:s3], [sflag:s2] =	dma.local @!p0 [hbm:s0], s1  }
0x75: {  	s0 =	simm.s32 @!p0 $0x1  }
0x76: {  	_ =	swait.ge @!p0 [sflag:s0], s1  }
0x77: {  	s1 =	ssub.s32 @!p0 $0x0, s1;
	[sflag:s0] =	ssyncset.done @!p0 $0x0  }
0x78: {  	[sflag:s0] =	ssyncadd.s32 @!p0 s1  }
0x79: {  	[bflag:$0x3] =	sbarrier.arrive $0xFFFF  }
0x7a: {  	_ =	shalt  }

</sc_bundles>
